<compile_context>
chip_gen: v7x
topology: tpu7x:2x2x1
jax: 0.10.2.dev20260603
libtpu: 0.0.44.dev20260713+nightly
codegen_flags: <defaults>
</compile_context>

<pallas_src>
import functools

import jax
import jax.numpy as jnp
from jax import lax
from jax.experimental import pallas as pl
from jax.experimental.pallas import tpu as pltpu
from jax.experimental.pallas import tpu_sc as plsc

E = 8
D = 768
T = 2048
TM = 384
NT = 14
NPAD = NT * TM

NC = 2
NS = 16
NW = NC * NS
CHUNK = T // NW


def _prefix_sum0(a):
    n = a.shape[0]
    k = 1
    while k < n:
        pad = jnp.zeros((k, a.shape[1]), a.dtype)
        a = a + jnp.concatenate([pad, a[:-k]], axis=0)
        k *= 2
    return a


def _prefix_sum1(a):
    n = a.shape[1]
    k = 1
    while k < n:
        pad = jnp.zeros((a.shape[0], k), a.dtype)
        a = a + jnp.concatenate([pad, a[:, :-k]], axis=1)
        k *= 2
    return a


def _router_body(x_ref, gw_ref, gb_ref,
                 dst_ref, te_ref, act_ref, avgp_ref, aux_ref):
    x = x_ref[0]
    gw = gw_ref[...]
    gb = gb_ref[...]
    logits = jnp.dot(x, gw, preferred_element_type=jnp.float32) + gb
    m = jnp.max(logits, axis=1, keepdims=True)
    ex = jnp.exp(logits - m)
    probs = ex / jnp.sum(ex, axis=1, keepdims=True)

    cols = lax.broadcasted_iota(jnp.int32, (T, E), 1)
    pmax = jnp.max(probs, axis=1, keepdims=True)
    idx = jnp.min(jnp.where(probs >= pmax, cols, E), axis=1, keepdims=True)
    one_hot = (cols == idx).astype(jnp.float32)

    counts = jnp.sum(one_hot, axis=0, keepdims=True)
    ranks_incl = _prefix_sum0(one_hot)
    rank = jnp.sum((ranks_incl - 1.0) * one_hot, axis=1, keepdims=True)

    pc = jnp.ceil(counts / TM) * TM
    ends = _prefix_sum1(pc)
    offs = ends - pc
    off_t = jnp.sum(offs * one_hot, axis=1, keepdims=True)
    dst_ref[...] = (off_t + rank).astype(jnp.int32).reshape(T)

    psel = jnp.sum(probs * one_hot, axis=0, keepdims=True)
    avgp = jnp.where(counts > 0, psel / jnp.maximum(counts, 1.0), 0.0)
    avgp_ref[...] = jnp.broadcast_to(avgp.reshape(E, 1), (E, 128))

    tile_start = (lax.broadcasted_iota(jnp.int32, (NT, E), 0)
                  .astype(jnp.float32) * TM)
    te = jnp.sum((tile_start >= jnp.broadcast_to(ends, (NT, E)))
                 .astype(jnp.int32), axis=1, keepdims=True)
    total = ends[0:1, E - 1:E]
    te_ref[...] = jnp.minimum(te, E - 1)
    act_ref[...] = (total / TM).astype(jnp.int32)

    usage = counts / float(T)
    aux_ref[...] = jnp.sum(usage * usage, keepdims=True).reshape(1, 1) * E


def _router(xf, gate_W, gate_b):
    return pl.pallas_call(
        _router_body,
        in_specs=[
            pl.BlockSpec((1, T, D), lambda: (0, 0, 0)),
            pl.BlockSpec((D, E), lambda: (0, 0)),
            pl.BlockSpec((1, E), lambda: (0, 0)),
        ],
        out_shape=(
            jax.ShapeDtypeStruct((T,), jnp.int32),
            jax.ShapeDtypeStruct((NT, 1), jnp.int32),
            jax.ShapeDtypeStruct((1, 1), jnp.int32),
            jax.ShapeDtypeStruct((E, 128), jnp.float32),
            jax.ShapeDtypeStruct((1, 1), jnp.float32),
        ),
    )(xf, gate_W, gate_b.reshape(1, E))


@functools.cache
def _sc_kernels():
    mesh = plsc.VectorSubcoreMesh(core_axis_name="c", subcore_axis_name="s")
    scratch = [
        pltpu.VMEM((CHUNK,), jnp.int32),
        pltpu.VMEM((CHUNK, D), jnp.float32),
        pltpu.SemaphoreType.DMA,
        pltpu.SemaphoreType.DMA,
    ]

    @functools.partial(
        pl.kernel,
        out_type=jax.ShapeDtypeStruct((NPAD, D), jnp.float32),
        mesh=mesh,
        scratch_types=scratch,
    )
    def sc_scatter(x_hbm, dst_hbm, xs_hbm, idx_v, rows_v, sem, sem2):
        wid = lax.axis_index("s") * NC + lax.axis_index("c")
        base = wid * CHUNK
        cp_idx = pltpu.async_copy(dst_hbm.at[pl.ds(base, CHUNK)], idx_v, sem2)
        cp_rows = pltpu.async_copy(x_hbm.at[0, pl.ds(base, CHUNK)], rows_v, sem)
        cp_idx.wait()
        cp_rows.wait()
        pltpu.async_copy(rows_v, xs_hbm.at[idx_v], sem).wait()

    @functools.partial(
        pl.kernel,
        out_type=jax.ShapeDtypeStruct((T, D), jnp.float32),
        mesh=mesh,
        scratch_types=scratch,
    )
    def sc_gather(ys_hbm, dst_hbm, out_hbm, idx_v, rows_v, sem, sem2):
        wid = lax.axis_index("s") * NC + lax.axis_index("c")
        base = wid * CHUNK
        pltpu.async_copy(dst_hbm.at[pl.ds(base, CHUNK)], idx_v, sem2).wait()
        pltpu.async_copy(ys_hbm.at[idx_v], rows_v, sem).wait()
        pltpu.sync_copy(rows_v, out_hbm.at[pl.ds(base, CHUNK)])

    return sc_scatter, sc_gather


def _clamp(i, na):
    return jnp.minimum(i, na[0] - 1)



def _mlp_body(te_ref, na_ref, xs_ref, w1_ref, b1_ref, w2_ref, b2_ref,
              ap_ref, out_ref):
    i = pl.program_id(0)

    @pl.when(i < na_ref[0])
    def _():
        xb = xs_ref[...]
        h = jnp.dot(xb, w1_ref[0], preferred_element_type=jnp.float32)
        h = jnp.maximum(h + b1_ref[0], 0.0)
        y = jnp.dot(h, w2_ref[0], preferred_element_type=jnp.float32)
        y = y + b2_ref[0]
        out_ref[...] = y * ap_ref[0, 0:1, 0:1]


def _mlp(te, act, xs, W1, b1, W2, b2, avgp):
    grid_spec = pltpu.PrefetchScalarGridSpec(
        num_scalar_prefetch=2,
        grid=(NT,),
        in_specs=[
            pl.BlockSpec((TM, D), lambda i, te, na: (_clamp(i, na), 0)),
            pl.BlockSpec((1, D, D), lambda i, te, na: (te[_clamp(i, na)], 0, 0)),
            pl.BlockSpec((1, 1, D), lambda i, te, na: (te[_clamp(i, na)], 0, 0)),
            pl.BlockSpec((1, D, D), lambda i, te, na: (te[_clamp(i, na)], 0, 0)),
            pl.BlockSpec((1, 1, D), lambda i, te, na: (te[_clamp(i, na)], 0, 0)),
            pl.BlockSpec((1, 1, 128), lambda i, te, na: (te[_clamp(i, na)], 0, 0)),
        ],
        out_specs=pl.BlockSpec((TM, D), lambda i, te, na: (_clamp(i, na), 0)),
    )
    return pl.pallas_call(
        _mlp_body,
        grid_spec=grid_spec,
        out_shape=jax.ShapeDtypeStruct((NPAD, D), jnp.float32),
    )(te, act, xs, W1, b1.reshape(E, 1, D), W2, b2.reshape(E, 1, D),
      avgp.reshape(E, 1, 128))


def kernel(x, gate_W, gate_b, W1, b1, W2, b2):
    B, Tn, Dn = x.shape
    dst, te2, act2, avgp, aux = _router(x, gate_W, gate_b)
    te = te2.reshape(NT)
    act = act2.reshape(1)
    sc_scatter, sc_gather = _sc_kernels()
    xs = sc_scatter(x, dst)
    ys = _mlp(te, act, xs, W1, b1, W2, b2, avgp)
    out = sc_gather(ys, dst)
    return out.reshape(B, Tn, Dn), aux[0, 0]

# --- scband reference (transcript-rebuilt; emitter-appended) ---
"""Pipeline reference for scband-expert-module-85495618994904 (READ-ONLY COPY).

The authoritative reference and input builder live on the scoring server;
editing this copy changes nothing except your own understanding.
"""

import jax, jax.numpy as jnp
import numpy as np

NUM_EXPERTS = 8
TOP_K = 1
D_MODEL = 768
D_HIDDEN = 768


def setup_inputs(seed: int = 0) -> dict:
    key = jax.random.key(seed)
    ks = jax.random.split(key, 8)
    x = jax.random.normal(ks[0], (1, 2048, D_MODEL), dtype=jnp.float32)
    gate_W = jax.random.normal(ks[1], (D_MODEL, NUM_EXPERTS), dtype=jnp.float32) * 0.02
    gate_b = jnp.zeros((NUM_EXPERTS,), dtype=jnp.float32)
    W1 = jax.random.normal(ks[2], (NUM_EXPERTS, D_MODEL, D_HIDDEN), dtype=jnp.float32) * 0.02
    b1 = jnp.zeros((NUM_EXPERTS, D_HIDDEN), dtype=jnp.float32)
    W2 = jax.random.normal(ks[3], (NUM_EXPERTS, D_HIDDEN, D_MODEL), dtype=jnp.float32) * 0.02
    b2 = jnp.zeros((NUM_EXPERTS, D_MODEL), dtype=jnp.float32)
    return {"x": x, "gate_W": gate_W, "gate_b": gate_b, "W1": W1, "b1": b1, "W2": W2, "b2": b2}


def reference(x, gate_W, gate_b, W1, b1, W2, b2):
    B, T, D = x.shape
    x_flat = x.reshape(-1, D)
    N = x_flat.shape[0]
    gate_logits = x_flat @ gate_W + gate_b
    gate_probs = jax.nn.softmax(gate_logits, axis=-1)
    topk_probs, topk_idx = jax.lax.top_k(gate_probs, TOP_K)
    output = jnp.zeros_like(x_flat)
    counter = jnp.zeros((NUM_EXPERTS,), dtype=x.dtype)
    for e in range(NUM_EXPERTS):
        sel = (topk_idx == e)                      # (N, k) bool
        mask = sel.any(axis=-1)                    # (N,) bool: token routed to expert e
        maskf = mask.astype(x.dtype)
        cnt = maskf.sum()
        # expert MLP (computed densely; masked merge below keeps math identical)
        h = jnp.maximum(x_flat @ W1[e] + b1[e], 0.0)
        out_e = h @ W2[e] + b2[e]
        self_ = sel.astype(x.dtype)
        denom = self_.sum()
        sel_sum = jnp.sum(topk_probs * self_)
        avg_prob = jnp.where(denom > 0, sel_sum / jnp.maximum(denom, 1.0), 0.0)
        output = jnp.where(mask[:, None], avg_prob * out_e, output)
        counter = counter.at[e].add(cnt)
    out = output.reshape(B, T, D)
    # dropout is identity in eval mode
    total_tokens = B * T
    avg_expert_usage = counter / total_tokens
    aux_loss = jnp.sum(avg_expert_usage ** 2) * NUM_EXPERTS
    return out, aux_loss

if __name__ == "__main__":
    import jax
    _d = setup_inputs()
    print(jax.jit(kernel)(*tuple(_d.values())))

</pallas_src>

<mosaic_0001>
#map = affine_map<(d0, d1) -> (0, 0)>
#map1 = affine_map<(d0, d1) -> (0)>
module attributes {stable_mosaic.version = 14 : i64} {
  func.func @sc_gather(%arg0: i32, %arg1: i32, %arg2: memref<5376x768xf32, #tpu.memory_space<hbm>>, %arg3: memref<2048xi32, #tpu.memory_space<hbm>>, %arg4: memref<2048x768xf32, #tpu.memory_space<hbm>>, %arg5: memref<64xi32, #tpu.memory_space<vmem>>, %arg6: memref<64x768xf32, #tpu.memory_space<vmem>>, %arg7: memref<!tpu.dma_semaphore, #tpu.memory_space<semaphore_mem>>, %arg8: memref<!tpu.dma_semaphore, #tpu.memory_space<semaphore_mem>>) attributes {dimension_semantics = [#tpu.dimension_semantics<core_parallel>, #tpu.dimension_semantics<subcore_parallel>], iteration_bounds = array<i64: 2, 16>, scalar_prefetch = 0 : i64, scratch_operands = 4 : i64, tpu.core_type = #tpu.core_type<sc_vector_subcore>, window_params = [{transform_indices = #map}, {transform_indices = #map1}, {transform_indices = #map}]} {
    %mul3A = arith.constant 2 : i32
    %mul3A_0 = arith.muli %arg1, %mul3A : i32
    %add3A = arith.addi %mul3A_0, %arg0 : i32
    %mul3A_1 = arith.constant 64 : i32
    %mul3A_2 = arith.muli %add3A, %mul3A_1 : i32
    %dma_start3A = tpu.memref_slice %arg3[%mul3A_2] : memref<2048xi32, #tpu.memory_space<hbm>> -> memref<64xi32, #tpu.memory_space<hbm>>
    %dma_start3A_3 = tpu.memref_slice %arg3[%mul3A_2] : memref<2048xi32, #tpu.memory_space<hbm>> -> memref<64xi32, #tpu.memory_space<hbm>>
    tpu.enqueue_dma source(%dma_start3A_3 : memref<64xi32, #tpu.memory_space<hbm>>) target(%arg5 : memref<64xi32, #tpu.memory_space<vmem>>) target_semaphore(%arg8 : memref<!tpu.dma_semaphore, #tpu.memory_space<semaphore_mem>>)
    %dma_wait3A = tpu.memref_slice %arg3[%mul3A_2] : memref<2048xi32, #tpu.memory_space<hbm>> -> memref<64xi32, #tpu.memory_space<hbm>>
    %dma_wait3A_4 = tpu.memref_slice %arg3[%mul3A_2] : memref<2048xi32, #tpu.memory_space<hbm>> -> memref<64xi32, #tpu.memory_space<hbm>>
    tpu.wait_dma2 semaphore(%arg8 : memref<!tpu.dma_semaphore, #tpu.memory_space<semaphore_mem>>) src(%dma_wait3A_4 : memref<64xi32, #tpu.memory_space<hbm>>) dst(%arg5 : memref<64xi32, #tpu.memory_space<vmem>>)
    %dma_start3A_5 = arith.constant 0 : i32
    %dma_start3A_6 = arith.constant 0 : i32
    %dma_start3A_7 = tpu.memref_slice %arg2[%dma_start3A_5, %dma_start3A_6] : memref<5376x768xf32, #tpu.memory_space<hbm>> -> memref<5376x768xf32, #tpu.memory_space<hbm>>
    tpu.enqueue_indirect_dma source(%dma_start3A_7 : memref<5376x768xf32, #tpu.memory_space<hbm>>) target(%arg6 : memref<64x768xf32, #tpu.memory_space<vmem>>) offsets(%arg5 : memref<64xi32, #tpu.memory_space<vmem>>) semaphore(%arg7 : memref<!tpu.dma_semaphore, #tpu.memory_space<semaphore_mem>>)
    %dma_wait3A_8 = arith.constant 0 : i32
    %dma_wait3A_9 = arith.constant 0 : i32
    %dma_wait3A_10 = tpu.memref_slice %arg2[%dma_wait3A_8, %dma_wait3A_9] : memref<5376x768xf32, #tpu.memory_space<hbm>> -> memref<5376x768xf32, #tpu.memory_space<hbm>>
    tpu.wait_indirect_dma semaphore(%arg7 : memref<!tpu.dma_semaphore, #tpu.memory_space<semaphore_mem>>) src(%dma_wait3A_10 : memref<5376x768xf32, #tpu.memory_space<hbm>>) dst(%arg6 : memref<64x768xf32, #tpu.memory_space<vmem>>)
    "tpu.region"() ({
      %run_scoped3A = tpu.sem_alloc : memref<!tpu.dma_semaphore, #tpu.memory_space<semaphore_mem>>
      %dma_start3A_11 = arith.constant 0 : i32
      %dma_start3A_12 = tpu.memref_slice %arg4[%mul3A_2, %dma_start3A_11] : memref<2048x768xf32, #tpu.memory_space<hbm>> -> memref<64x768xf32, #tpu.memory_space<hbm>>
      %dma_start3A_13 = arith.constant 0 : i32
      %dma_start3A_14 = tpu.memref_slice %arg4[%mul3A_2, %dma_start3A_13] : memref<2048x768xf32, #tpu.memory_space<hbm>> -> memref<64x768xf32, #tpu.memory_space<hbm>>
      tpu.enqueue_dma source(%arg6 : memref<64x768xf32, #tpu.memory_space<vmem>>) target(%dma_start3A_14 : memref<64x768xf32, #tpu.memory_space<hbm>>) target_semaphore(%run_scoped3A : memref<!tpu.dma_semaphore, #tpu.memory_space<semaphore_mem>>)
      %dma_wait3A_15 = arith.constant 0 : i32
      %dma_wait3A_16 = tpu.memref_slice %arg4[%mul3A_2, %dma_wait3A_15] : memref<2048x768xf32, #tpu.memory_space<hbm>> -> memref<64x768xf32, #tpu.memory_space<hbm>>
      %dma_wait3A_17 = arith.constant 0 : i32
      %dma_wait3A_18 = tpu.memref_slice %arg4[%mul3A_2, %dma_wait3A_17] : memref<2048x768xf32, #tpu.memory_space<hbm>> -> memref<64x768xf32, #tpu.memory_space<hbm>>
      tpu.wait_dma2 semaphore(%run_scoped3A : memref<!tpu.dma_semaphore, #tpu.memory_space<semaphore_mem>>) src(%arg6 : memref<64x768xf32, #tpu.memory_space<vmem>>) dst(%dma_wait3A_18 : memref<64x768xf32, #tpu.memory_space<hbm>>)
      tpu.yield
    }) : () -> ()
    return
  }
}

#map = affine_map<(d0, d1) -> (0, 0, 0)>
#map1 = affine_map<(d0, d1) -> (0)>
#map2 = affine_map<(d0, d1) -> (0, 0)>
module attributes {stable_mosaic.version = 14 : i64} {
  func.func @sc_scatter(%arg0: i32, %arg1: i32, %arg2: memref<1x2048x768xf32, #tpu.memory_space<hbm>>, %arg3: memref<2048xi32, #tpu.memory_space<hbm>>, %arg4: memref<5376x768xf32, #tpu.memory_space<hbm>>, %arg5: memref<64xi32, #tpu.memory_space<vmem>>, %arg6: memref<64x768xf32, #tpu.memory_space<vmem>>, %arg7: memref<!tpu.dma_semaphore, #tpu.memory_space<semaphore_mem>>, %arg8: memref<!tpu.dma_semaphore, #tpu.memory_space<semaphore_mem>>) attributes {dimension_semantics = [#tpu.dimension_semantics<core_parallel>, #tpu.dimension_semantics<subcore_parallel>], iteration_bounds = array<i64: 2, 16>, scalar_prefetch = 0 : i64, scratch_operands = 4 : i64, tpu.core_type = #tpu.core_type<sc_vector_subcore>, window_params = [{transform_indices = #map}, {transform_indices = #map1}, {transform_indices = #map2}]} {
    %mul3A = arith.constant 2 : i32
    %mul3A_0 = arith.muli %arg1, %mul3A : i32
    %add3A = arith.addi %mul3A_0, %arg0 : i32
    %mul3A_1 = arith.constant 64 : i32
    %mul3A_2 = arith.muli %add3A, %mul3A_1 : i32
    %dma_start3A = tpu.memref_slice %arg3[%mul3A_2] : memref<2048xi32, #tpu.memory_space<hbm>> -> memref<64xi32, #tpu.memory_space<hbm>>
    %dma_start3A_3 = tpu.memref_slice %arg3[%mul3A_2] : memref<2048xi32, #tpu.memory_space<hbm>> -> memref<64xi32, #tpu.memory_space<hbm>>
    tpu.enqueue_dma source(%dma_start3A_3 : memref<64xi32, #tpu.memory_space<hbm>>) target(%arg5 : memref<64xi32, #tpu.memory_space<vmem>>) target_semaphore(%arg8 : memref<!tpu.dma_semaphore, #tpu.memory_space<semaphore_mem>>)
    %dma_start3A_4 = arith.constant 0 : i32
    %dma_start3A_5 = arith.constant 0 : i32
    %dma_start3A_6 = tpu.memref_slice %arg2[%dma_start3A_4, %mul3A_2, %dma_start3A_5] : memref<1x2048x768xf32, #tpu.memory_space<hbm>> -> memref<1x64x768xf32, #tpu.memory_space<hbm>>
    %dma_start3A_7 = tpu.memref_squeeze %dma_start3A_6 : memref<1x64x768xf32, #tpu.memory_space<hbm>> -> memref<64x768xf32, #tpu.memory_space<hbm>>
    %dma_start3A_8 = arith.constant 0 : i32
    %dma_start3A_9 = tpu.memref_slice %arg2[%dma_start3A_4, %mul3A_2, %dma_start3A_8] : memref<1x2048x768xf32, #tpu.memory_space<hbm>> -> memref<1x64x768xf32, #tpu.memory_space<hbm>>
    %dma_start3A_10 = tpu.memref_squeeze %dma_start3A_9 : memref<1x64x768xf32, #tpu.memory_space<hbm>> -> memref<64x768xf32, #tpu.memory_space<hbm>>
    tpu.enqueue_dma source(%dma_start3A_10 : memref<64x768xf32, #tpu.memory_space<hbm>>) target(%arg6 : memref<64x768xf32, #tpu.memory_space<vmem>>) target_semaphore(%arg7 : memref<!tpu.dma_semaphore, #tpu.memory_space<semaphore_mem>>)
    %dma_wait3A = tpu.memref_slice %arg3[%mul3A_2] : memref<2048xi32, #tpu.memory_space<hbm>> -> memref<64xi32, #tpu.memory_space<hbm>>
    %dma_wait3A_11 = tpu.memref_slice %arg3[%mul3A_2] : memref<2048xi32, #tpu.memory_space<hbm>> -> memref<64xi32, #tpu.memory_space<hbm>>
    tpu.wait_dma2 semaphore(%arg8 : memref<!tpu.dma_semaphore, #tpu.memory_space<semaphore_mem>>) src(%dma_wait3A_11 : memref<64xi32, #tpu.memory_space<hbm>>) dst(%arg5 : memref<64xi32, #tpu.memory_space<vmem>>)
    %dma_wait3A_12 = arith.constant 0 : i32
    %dma_wait3A_13 = arith.constant 0 : i32
    %dma_wait3A_14 = tpu.memref_slice %arg2[%dma_wait3A_12, %mul3A_2, %dma_wait3A_13] : memref<1x2048x768xf32, #tpu.memory_space<hbm>> -> memref<1x64x768xf32, #tpu.memory_space<hbm>>
    %dma_wait3A_15 = tpu.memref_squeeze %dma_wait3A_14 : memref<1x64x768xf32, #tpu.memory_space<hbm>> -> memref<64x768xf32, #tpu.memory_space<hbm>>
    %dma_wait3A_16 = arith.constant 0 : i32
    %dma_wait3A_17 = tpu.memref_slice %arg2[%dma_wait3A_12, %mul3A_2, %dma_wait3A_16] : memref<1x2048x768xf32, #tpu.memory_space<hbm>> -> memref<1x64x768xf32, #tpu.memory_space<hbm>>
    %dma_wait3A_18 = tpu.memref_squeeze %dma_wait3A_17 : memref<1x64x768xf32, #tpu.memory_space<hbm>> -> memref<64x768xf32, #tpu.memory_space<hbm>>
    tpu.wait_dma2 semaphore(%arg7 : memref<!tpu.dma_semaphore, #tpu.memory_space<semaphore_mem>>) src(%dma_wait3A_18 : memref<64x768xf32, #tpu.memory_space<hbm>>) dst(%arg6 : memref<64x768xf32, #tpu.memory_space<vmem>>)
    %dma_start3A_19 = arith.constant 0 : i32
    %dma_start3A_20 = arith.constant 0 : i32
    %dma_start3A_21 = tpu.memref_slice %arg4[%dma_start3A_19, %dma_start3A_20] : memref<5376x768xf32, #tpu.memory_space<hbm>> -> memref<5376x768xf32, #tpu.memory_space<hbm>>
    tpu.enqueue_indirect_dma source(%arg6 : memref<64x768xf32, #tpu.memory_space<vmem>>) target(%dma_start3A_21 : memref<5376x768xf32, #tpu.memory_space<hbm>>) offsets(%arg5 : memref<64xi32, #tpu.memory_space<vmem>>) semaphore(%arg7 : memref<!tpu.dma_semaphore, #tpu.memory_space<semaphore_mem>>)
    %dma_wait3A_22 = arith.constant 0 : i32
    %dma_wait3A_23 = arith.constant 0 : i32
    %dma_wait3A_24 = tpu.memref_slice %arg4[%dma_wait3A_22, %dma_wait3A_23] : memref<5376x768xf32, #tpu.memory_space<hbm>> -> memref<5376x768xf32, #tpu.memory_space<hbm>>
    tpu.wait_indirect_dma semaphore(%arg7 : memref<!tpu.dma_semaphore, #tpu.memory_space<semaphore_mem>>) src(%arg6 : memref<64x768xf32, #tpu.memory_space<vmem>>) dst(%dma_wait3A_24 : memref<5376x768xf32, #tpu.memory_space<hbm>>)
    return
  }
}

module attributes {stable_mosaic.version = 14 : i64} {
  func.func @_mlp_body(%arg0: i32, %arg1: memref<14xi32, #tpu.memory_space<smem>>, %arg2: memref<1xi32, #tpu.memory_space<smem>>, %arg3: memref<384x768xf32, #tpu.memory_space<vmem>>, %arg4: memref<1x768x768xf32, #tpu.memory_space<vmem>>, %arg5: memref<1x1x768xf32, #tpu.memory_space<vmem>>, %arg6: memref<1x768x768xf32, #tpu.memory_space<vmem>>, %arg7: memref<1x1x768xf32, #tpu.memory_space<vmem>>, %arg8: memref<1x1x128xf32, #tpu.memory_space<vmem>>, %arg9: memref<384x768xf32, #tpu.memory_space<vmem>>) attributes {dimension_semantics = [#tpu.dimension_semantics<arbitrary>], iteration_bounds = array<i64: 14>, scalar_prefetch = 2 : i64, scratch_operands = 0 : i64, tpu.core_type = #tpu.core_type<tc>, window_params = [{transform_indices = @transform_0, window_bounds = array<i64: 384, 768>}, {transform_indices = @transform_1, window_bounds = array<i64: 1, 768, 768>}, {transform_indices = @transform_2, window_bounds = array<i64: 1, 1, 768>}, {transform_indices = @transform_3, window_bounds = array<i64: 1, 768, 768>}, {transform_indices = @transform_4, window_bounds = array<i64: 1, 1, 768>}, {transform_indices = @transform_5, window_bounds = array<i64: 1, 1, 128>}, {transform_indices = @transform_6, window_bounds = array<i64: 384, 768>}]} {
    %get3A = arith.constant 0 : index
    %get3A_0 = memref.load %arg2[%get3A] : memref<1xi32, #tpu.memory_space<smem>>
    %lt3A = arith.cmpi slt, %arg0, %get3A_0 : i32
    %convert_element_type3A = arith.extui %lt3A : i1 to i32
    %cond3A = arith.constant 0 : i32
    %cond3A_1 = arith.cmpi ne, %convert_element_type3A, %cond3A : i32
    scf.if %cond3A_1 {
      %get3A_2 = arith.constant 0 : index
      %get3A_3 = arith.constant 0 : index
      %get3A_4 = vector.load %arg3[%get3A_2, %get3A_3] : memref<384x768xf32, #tpu.memory_space<vmem>>, vector<384x768xf32>
      %get3A_5 = arith.constant 0 : index
      %get3A_6 = arith.constant 0 : index
      %get3A_7 = arith.constant 0 : index
      %get3A_8 = vector.load %arg4[%get3A_5, %get3A_6, %get3A_7] : memref<1x768x768xf32, #tpu.memory_space<vmem>>, vector<1x768x768xf32>
      %get3A_9 = vector.shape_cast %get3A_8 : vector<1x768x768xf32> to vector<768x768xf32>
      %dot_general3A = arith.constant dense<0.000000e+00> : vector<384x768xf32>
      %dot_general3A_10 = tpu.matmul %get3A_4, %get3A_9, %dot_general3A {dimension_numbers = #tpu.dot_dimension_numbers<[1], [0], [0], [1], [0, 0, 1, 1], [], []>, transpose_lhs_hint = false} : vector<384x768xf32>, vector<768x768xf32>, vector<384x768xf32> -> vector<384x768xf32>
      %get3A_11 = arith.constant 0 : index
      %get3A_12 = arith.constant 0 : index
      %get3A_13 = arith.constant 0 : index
      %get3A_14 = vector.load %arg5[%get3A_11, %get3A_12, %get3A_13] : memref<1x1x768xf32, #tpu.memory_space<vmem>>, vector<1x1x768xf32>
      %get3A_15 = vector.shape_cast %get3A_14 : vector<1x1x768xf32> to vector<1x768xf32>
      %add3A = vector.broadcast %get3A_15 : vector<1x768xf32> to vector<384x768xf32>
      %add3A_16 = arith.addf %dot_general3A_10, %add3A : vector<384x768xf32>
      %max3A = arith.constant 0.000000e+00 : f32
      %max3A_17 = vector.broadcast %max3A : f32 to vector<384x768xf32>
      %max3A_18 = arith.maximumf %add3A_16, %max3A_17 : vector<384x768xf32>
      %get3A_19 = arith.constant 0 : index
      %get3A_20 = arith.constant 0 : index
      %get3A_21 = arith.constant 0 : index
      %get3A_22 = vector.load %arg6[%get3A_19, %get3A_20, %get3A_21] : memref<1x768x768xf32, #tpu.memory_space<vmem>>, vector<1x768x768xf32>
      %get3A_23 = vector.shape_cast %get3A_22 : vector<1x768x768xf32> to vector<768x768xf32>
      %dot_general3A_24 = arith.constant dense<0.000000e+00> : vector<384x768xf32>
      %dot_general3A_25 = tpu.matmul %max3A_18, %get3A_23, %dot_general3A_24 {dimension_numbers = #tpu.dot_dimension_numbers<[1], [0], [0], [1], [0, 0, 1, 1], [], []>, transpose_lhs_hint = false} : vector<384x768xf32>, vector<768x768xf32>, vector<384x768xf32> -> vector<384x768xf32>
      %get3A_26 = arith.constant 0 : index
      %get3A_27 = arith.constant 0 : index
      %get3A_28 = arith.constant 0 : index
      %get3A_29 = vector.load %arg7[%get3A_26, %get3A_27, %get3A_28] : memref<1x1x768xf32, #tpu.memory_space<vmem>>, vector<1x1x768xf32>
      %get3A_30 = vector.shape_cast %get3A_29 : vector<1x1x768xf32> to vector<1x768xf32>
      %add3A_31 = vector.broadcast %get3A_30 : vector<1x768xf32> to vector<384x768xf32>
      %add3A_32 = arith.addf %dot_general3A_25, %add3A_31 : vector<384x768xf32>
      %get3A_33 = arith.constant 0 : index
      %get3A_34 = arith.constant 0 : index
      %get3A_35 = arith.constant 0 : index
      %get3A_36 = vector.load %arg8[%get3A_33, %get3A_34, %get3A_35] : memref<1x1x128xf32, #tpu.memory_space<vmem>>, vector<1x1x1xf32>
      %get3A_37 = vector.shape_cast %get3A_36 : vector<1x1x1xf32> to vector<1x1xf32>
      %mul3A = vector.broadcast %get3A_37 : vector<1x1xf32> to vector<384x768xf32>
      %mul3A_38 = arith.mulf %add3A_32, %mul3A : vector<384x768xf32>
      %swap3A = arith.constant 0 : index
      %swap3A_39 = arith.constant 0 : index
      %swap3A_40 = vector.load %arg9[%swap3A, %swap3A_39] : memref<384x768xf32, #tpu.memory_space<vmem>>, vector<384x768xf32>
      tpu.vector_store %arg9[%swap3A, %swap3A_39], %mul3A_38 {strides = array<i32>} : memref<384x768xf32, #tpu.memory_space<vmem>>, vector<384x768xf32>,
    } else {
    }
    return
  }
  func.func @transform_0(%arg0: i32, %arg1: memref<14xi32, #tpu.memory_space<smem>>, %arg2: memref<1xi32, #tpu.memory_space<smem>>) -> (i32, i32) {
    %get3A = arith.constant 0 : index
    %get3A_0 = memref.load %arg2[%get3A] : memref<1xi32, #tpu.memory_space<smem>>
    %sub3A = arith.constant 1 : i32
    %sub3A_1 = arith.subi %get3A_0, %sub3A : i32
    %min3A = arith.minsi %arg0, %sub3A_1 : i32
    %c0_i32 = arith.constant 0 : i32
    %c0_i32_2 = arith.constant 0 : i32
    return %min3A, %c0_i32 : i32, i32
  }
  func.func @transform_1(%arg0: i32, %arg1: memref<14xi32, #tpu.memory_space<smem>>, %arg2: memref<1xi32, #tpu.memory_space<smem>>) -> (i32, i32, i32) {
    %get3A = arith.constant 0 : index
    %get3A_0 = memref.load %arg2[%get3A] : memref<1xi32, #tpu.memory_space<smem>>
    %sub3A = arith.constant 1 : i32
    %sub3A_1 = arith.subi %get3A_0, %sub3A : i32
    %min3A = arith.minsi %arg0, %sub3A_1 : i32
    %get3A_2 = arith.index_cast %min3A : i32 to index
    %get3A_3 = memref.load %arg1[%get3A_2] : memref<14xi32, #tpu.memory_space<smem>>
    %c0_i32 = arith.constant 0 : i32
    %c0_i32_4 = arith.constant 0 : i32
    %c0_i32_5 = arith.constant 0 : i32
    return %get3A_3, %c0_i32, %c0_i32_4 : i32, i32, i32
  }
  func.func @transform_2(%arg0: i32, %arg1: memref<14xi32, #tpu.memory_space<smem>>, %arg2: memref<1xi32, #tpu.memory_space<smem>>) -> (i32, i32, i32) {
    %get3A = arith.constant 0 : index
    %get3A_0 = memref.load %arg2[%get3A] : memref<1xi32, #tpu.memory_space<smem>>
    %sub3A = arith.constant 1 : i32
    %sub3A_1 = arith.subi %get3A_0, %sub3A : i32
    %min3A = arith.minsi %arg0, %sub3A_1 : i32
    %get3A_2 = arith.index_cast %min3A : i32 to index
    %get3A_3 = memref.load %arg1[%get3A_2] : memref<14xi32, #tpu.memory_space<smem>>
    %c0_i32 = arith.constant 0 : i32
    %c0_i32_4 = arith.constant 0 : i32
    %c0_i32_5 = arith.constant 0 : i32
    return %get3A_3, %c0_i32, %c0_i32_4 : i32, i32, i32
  }
  func.func @transform_3(%arg0: i32, %arg1: memref<14xi32, #tpu.memory_space<smem>>, %arg2: memref<1xi32, #tpu.memory_space<smem>>) -> (i32, i32, i32) {
    %get3A = arith.constant 0 : index
    %get3A_0 = memref.load %arg2[%get3A] : memref<1xi32, #tpu.memory_space<smem>>
    %sub3A = arith.constant 1 : i32
    %sub3A_1 = arith.subi %get3A_0, %sub3A : i32
    %min3A = arith.minsi %arg0, %sub3A_1 : i32
    %get3A_2 = arith.index_cast %min3A : i32 to index
    %get3A_3 = memref.load %arg1[%get3A_2] : memref<14xi32, #tpu.memory_space<smem>>
    %c0_i32 = arith.constant 0 : i32
    %c0_i32_4 = arith.constant 0 : i32
    %c0_i32_5 = arith.constant 0 : i32
    return %get3A_3, %c0_i32, %c0_i32_4 : i32, i32, i32
  }
  func.func @transform_4(%arg0: i32, %arg1: memref<14xi32, #tpu.memory_space<smem>>, %arg2: memref<1xi32, #tpu.memory_space<smem>>) -> (i32, i32, i32) {
    %get3A = arith.constant 0 : index
    %get3A_0 = memref.load %arg2[%get3A] : memref<1xi32, #tpu.memory_space<smem>>
    %sub3A = arith.constant 1 : i32
    %sub3A_1 = arith.subi %get3A_0, %sub3A : i32
    %min3A = arith.minsi %arg0, %sub3A_1 : i32
    %get3A_2 = arith.index_cast %min3A : i32 to index
    %get3A_3 = memref.load %arg1[%get3A_2] : memref<14xi32, #tpu.memory_space<smem>>
    %c0_i32 = arith.constant 0 : i32
    %c0_i32_4 = arith.constant 0 : i32
    %c0_i32_5 = arith.constant 0 : i32
    return %get3A_3, %c0_i32, %c0_i32_4 : i32, i32, i32
  }
  func.func @transform_5(%arg0: i32, %arg1: memref<14xi32, #tpu.memory_space<smem>>, %arg2: memref<1xi32, #tpu.memory_space<smem>>) -> (i32, i32, i32) {
    %get3A = arith.constant 0 : index
    %get3A_0 = memref.load %arg2[%get3A] : memref<1xi32, #tpu.memory_space<smem>>
    %sub3A = arith.constant 1 : i32
    %sub3A_1 = arith.subi %get3A_0, %sub3A : i32
    %min3A = arith.minsi %arg0, %sub3A_1 : i32
    %get3A_2 = arith.index_cast %min3A : i32 to index
    %get3A_3 = memref.load %arg1[%get3A_2] : memref<14xi32, #tpu.memory_space<smem>>
    %c0_i32 = arith.constant 0 : i32
    %c0_i32_4 = arith.constant 0 : i32
    %c0_i32_5 = arith.constant 0 : i32
    return %get3A_3, %c0_i32, %c0_i32_4 : i32, i32, i32
  }
  func.func @transform_6(%arg0: i32, %arg1: memref<14xi32, #tpu.memory_space<smem>>, %arg2: memref<1xi32, #tpu.memory_space<smem>>) -> (i32, i32) {
    %get3A = arith.constant 0 : index
    %get3A_0 = memref.load %arg2[%get3A] : memref<1xi32, #tpu.memory_space<smem>>
    %sub3A = arith.constant 1 : i32
    %sub3A_1 = arith.subi %get3A_0, %sub3A : i32
    %min3A = arith.minsi %arg0, %sub3A_1 : i32
    %c0_i32 = arith.constant 0 : i32
    %c0_i32_2 = arith.constant 0 : i32
    return %min3A, %c0_i32 : i32, i32
  }
}

module attributes {stable_mosaic.version = 14 : i64} {
  func.func @_router_body(%arg0: memref<1x2048x768xf32, #tpu.memory_space<vmem>>, %arg1: memref<768x8xf32, #tpu.memory_space<vmem>>, %arg2: memref<1x8xf32, #tpu.memory_space<vmem>>, %arg3: memref<2048xi32, #tpu.memory_space<vmem>>, %arg4: memref<14x1xi32, #tpu.memory_space<vmem>>, %arg5: memref<1x1xi32, #tpu.memory_space<vmem>>, %arg6: memref<8x128xf32, #tpu.memory_space<vmem>>, %arg7: memref<1x1xf32, #tpu.memory_space<vmem>>) attributes {dimension_semantics = [], scalar_prefetch = 0 : i64, scratch_operands = 0 : i64, tpu.core_type = #tpu.core_type<tc>} {
    %get3A = arith.constant 0 : index
    %get3A_0 = arith.constant 0 : index
    %get3A_1 = arith.constant 0 : index
    %get3A_2 = vector.load %arg0[%get3A, %get3A_0, %get3A_1] : memref<1x2048x768xf32, #tpu.memory_space<vmem>>, vector<1x2048x768xf32>
    %get3A_3 = vector.shape_cast %get3A_2 : vector<1x2048x768xf32> to vector<2048x768xf32>
    %get3A_4 = arith.constant 0 : index
    %get3A_5 = arith.constant 0 : index
    %get3A_6 = vector.load %arg1[%get3A_4, %get3A_5] : memref<768x8xf32, #tpu.memory_space<vmem>>, vector<768x8xf32>
    %get3A_7 = arith.constant 0 : index
    %get3A_8 = arith.constant 0 : index
    %get3A_9 = vector.load %arg2[%get3A_7, %get3A_8] : memref<1x8xf32, #tpu.memory_space<vmem>>, vector<1x8xf32>
    %dot_general3A = arith.constant dense<0.000000e+00> : vector<2048x8xf32>
    %dot_general3A_10 = tpu.matmul %get3A_3, %get3A_6, %dot_general3A {dimension_numbers = #tpu.dot_dimension_numbers<[1], [0], [0], [1], [0, 0, 1, 1], [], []>, transpose_lhs_hint = false} : vector<2048x768xf32>, vector<768x8xf32>, vector<2048x8xf32> -> vector<2048x8xf32>
    %add3A = vector.broadcast %get3A_9 : vector<1x8xf32> to vector<2048x8xf32>
    %add3A_11 = arith.addf %dot_general3A_10, %add3A : vector<2048x8xf32>
    %reduce_max3A = arith.constant dense<0xFF800000> : vector<2048xf32>
    %reduce_max3A_12 = vector.multi_reduction <maximumf>, %add3A_11, %reduce_max3A [1] : vector<2048x8xf32> to vector<2048xf32>
    %broadcast_in_dim3A = vector.shape_cast %reduce_max3A_12 : vector<2048xf32> to vector<2048x1xf32>
    %sub3A = vector.broadcast %broadcast_in_dim3A : vector<2048x1xf32> to vector<2048x8xf32>
    %sub3A_13 = arith.subf %add3A_11, %sub3A : vector<2048x8xf32>
    %exp3A = math.exp %sub3A_13 : vector<2048x8xf32>
    %reduce_sum3A = arith.constant dense<0.000000e+00> : vector<2048xf32>
    %reduce_sum3A_14 = vector.multi_reduction <add>, %exp3A, %reduce_sum3A [1] : vector<2048x8xf32> to vector<2048xf32>
    %broadcast_in_dim3A_15 = vector.shape_cast %reduce_sum3A_14 : vector<2048xf32> to vector<2048x1xf32>
    %div3A = vector.broadcast %broadcast_in_dim3A_15 : vector<2048x1xf32> to vector<2048x8xf32>
    %div3A_16 = arith.divf %exp3A, %div3A : vector<2048x8xf32>
    %iota3A = tpu.iota {dimensions = array<i32: 1>} : vector<2048x8xi32>
    %reduce_max3A_17 = arith.constant dense<0xFF800000> : vector<2048xf32>
    %reduce_max3A_18 = vector.multi_reduction <maximumf>, %div3A_16, %reduce_max3A_17 [1] : vector<2048x8xf32> to vector<2048xf32>
    %broadcast_in_dim3A_19 = vector.shape_cast %reduce_max3A_18 : vector<2048xf32> to vector<2048x1xf32>
    %ge3A = vector.broadcast %broadcast_in_dim3A_19 : vector<2048x1xf32> to vector<2048x8xf32>
    %ge3A_20 = arith.cmpf oge, %div3A_16, %ge3A : vector<2048x8xf32>
    %jit3A = arith.constant 8 : i32
    %broadcast_in_dim3A_21 = vector.broadcast %jit3A : i32 to vector<2048x8xi32>
    %select_n3A = arith.select %ge3A_20, %iota3A, %broadcast_in_dim3A_21 : vector<2048x8xi1>, vector<2048x8xi32>
    %reduce_min3A = arith.constant dense<2147483647> : vector<2048xi32>
    %reduce_min3A_22 = vector.multi_reduction <minsi>, %select_n3A, %reduce_min3A [1] : vector<2048x8xi32> to vector<2048xi32>
    %broadcast_in_dim3A_23 = vector.shape_cast %reduce_min3A_22 : vector<2048xi32> to vector<2048x1xi32>
    %eq3A = vector.broadcast %broadcast_in_dim3A_23 : vector<2048x1xi32> to vector<2048x8xi32>
    %eq3A_24 = arith.cmpi eq, %iota3A, %eq3A : vector<2048x8xi32>
    %convert_element_type3A = arith.extui %eq3A_24 : vector<2048x8xi1> to vector<2048x8xi32>
    %convert_element_type3A_25 = arith.sitofp %convert_element_type3A : vector<2048x8xi32> to vector<2048x8xf32>
    %reduce_sum3A_26 = arith.constant dense<0.000000e+00> : vector<8xf32>
    %reduce_sum3A_27 = vector.multi_reduction <add>, %convert_element_type3A_25, %reduce_sum3A_26 [0] : vector<2048x8xf32> to vector<8xf32>
    %broadcast_in_dim3A_28 = vector.shape_cast %reduce_sum3A_27 : vector<8xf32> to vector<1x8xf32>
    %broadcast_in_dim3A_29 = arith.constant 0.000000e+00 : f32
    %broadcast_in_dim3A_30 = vector.broadcast %broadcast_in_dim3A_29 : f32 to vector<1x8xf32>
    %slice3A = vector.extract_strided_slice %convert_element_type3A_25 {offsets = [0, 0], sizes = [2047, 8], strides = [1, 1]} : vector<2048x8xf32> to vector<2047x8xf32>
    %concatenate3A = tpu.concatenate %broadcast_in_dim3A_30, %slice3A in 0 : vector<1x8xf32>, vector<2047x8xf32> -> vector<2048x8xf32>
    %add3A_31 = arith.addf %convert_element_type3A_25, %concatenate3A : vector<2048x8xf32>
    %broadcast_in_dim3A_32 = arith.constant 0.000000e+00 : f32
    %broadcast_in_dim3A_33 = vector.broadcast %broadcast_in_dim3A_32 : f32 to vector<2x8xf32>
    %slice3A_34 = vector.extract_strided_slice %add3A_31 {offsets = [0, 0], sizes = [2046, 8], strides = [1, 1]} : vector<2048x8xf32> to vector<2046x8xf32>
    %concatenate3A_35 = tpu.concatenate %broadcast_in_dim3A_33, %slice3A_34 in 0 : vector<2x8xf32>, vector<2046x8xf32> -> vector<2048x8xf32>
    %add3A_36 = arith.addf %add3A_31, %concatenate3A_35 : vector<2048x8xf32>
    %broadcast_in_dim3A_37 = arith.constant 0.000000e+00 : f32
    %broadcast_in_dim3A_38 = vector.broadcast %broadcast_in_dim3A_37 : f32 to vector<4x8xf32>
    %slice3A_39 = vector.extract_strided_slice %add3A_36 {offsets = [0, 0], sizes = [2044, 8], strides = [1, 1]} : vector<2048x8xf32> to vector<2044x8xf32>
    %concatenate3A_40 = tpu.concatenate %broadcast_in_dim3A_38, %slice3A_39 in 0 : vector<4x8xf32>, vector<2044x8xf32> -> vector<2048x8xf32>
    %add3A_41 = arith.addf %add3A_36, %concatenate3A_40 : vector<2048x8xf32>
    %broadcast_in_dim3A_42 = arith.constant 0.000000e+00 : f32
    %broadcast_in_dim3A_43 = vector.broadcast %broadcast_in_dim3A_42 : f32 to vector<8x8xf32>
    %slice3A_44 = vector.extract_strided_slice %add3A_41 {offsets = [0, 0], sizes = [2040, 8], strides = [1, 1]} : vector<2048x8xf32> to vector<2040x8xf32>
    %concatenate3A_45 = tpu.concatenate %broadcast_in_dim3A_43, %slice3A_44 in 0 : vector<8x8xf32>, vector<2040x8xf32> -> vector<2048x8xf32>
    %add3A_46 = arith.addf %add3A_41, %concatenate3A_45 : vector<2048x8xf32>
    %broadcast_in_dim3A_47 = arith.constant 0.000000e+00 : f32
    %broadcast_in_dim3A_48 = vector.broadcast %broadcast_in_dim3A_47 : f32 to vector<16x8xf32>
    %slice3A_49 = vector.extract_strided_slice %add3A_46 {offsets = [0, 0], sizes = [2032, 8], strides = [1, 1]} : vector<2048x8xf32> to vector<2032x8xf32>
    %concatenate3A_50 = tpu.concatenate %broadcast_in_dim3A_48, %slice3A_49 in 0 : vector<16x8xf32>, vector<2032x8xf32> -> vector<2048x8xf32>
    %add3A_51 = arith.addf %add3A_46, %concatenate3A_50 : vector<2048x8xf32>
    %broadcast_in_dim3A_52 = arith.constant 0.000000e+00 : f32
    %broadcast_in_dim3A_53 = vector.broadcast %broadcast_in_dim3A_52 : f32 to vector<32x8xf32>
    %slice3A_54 = vector.extract_strided_slice %add3A_51 {offsets = [0, 0], sizes = [2016, 8], strides = [1, 1]} : vector<2048x8xf32> to vector<2016x8xf32>
    %concatenate3A_55 = tpu.concatenate %broadcast_in_dim3A_53, %slice3A_54 in 0 : vector<32x8xf32>, vector<2016x8xf32> -> vector<2048x8xf32>
    %add3A_56 = arith.addf %add3A_51, %concatenate3A_55 : vector<2048x8xf32>
    %broadcast_in_dim3A_57 = arith.constant 0.000000e+00 : f32
    %broadcast_in_dim3A_58 = vector.broadcast %broadcast_in_dim3A_57 : f32 to vector<64x8xf32>
    %slice3A_59 = vector.extract_strided_slice %add3A_56 {offsets = [0, 0], sizes = [1984, 8], strides = [1, 1]} : vector<2048x8xf32> to vector<1984x8xf32>
    %concatenate3A_60 = tpu.concatenate %broadcast_in_dim3A_58, %slice3A_59 in 0 : vector<64x8xf32>, vector<1984x8xf32> -> vector<2048x8xf32>
    %add3A_61 = arith.addf %add3A_56, %concatenate3A_60 : vector<2048x8xf32>
    %broadcast_in_dim3A_62 = arith.constant 0.000000e+00 : f32
    %broadcast_in_dim3A_63 = vector.broadcast %broadcast_in_dim3A_62 : f32 to vector<128x8xf32>
    %slice3A_64 = vector.extract_strided_slice %add3A_61 {offsets = [0, 0], sizes = [1920, 8], strides = [1, 1]} : vector<2048x8xf32> to vector<1920x8xf32>
    %concatenate3A_65 = tpu.concatenate %broadcast_in_dim3A_63, %slice3A_64 in 0 : vector<128x8xf32>, vector<1920x8xf32> -> vector<2048x8xf32>
    %add3A_66 = arith.addf %add3A_61, %concatenate3A_65 : vector<2048x8xf32>
    %broadcast_in_dim3A_67 = arith.constant 0.000000e+00 : f32
    %broadcast_in_dim3A_68 = vector.broadcast %broadcast_in_dim3A_67 : f32 to vector<256x8xf32>
    %slice3A_69 = vector.extract_strided_slice %add3A_66 {offsets = [0, 0], sizes = [1792, 8], strides = [1, 1]} : vector<2048x8xf32> to vector<1792x8xf32>
    %concatenate3A_70 = tpu.concatenate %broadcast_in_dim3A_68, %slice3A_69 in 0 : vector<256x8xf32>, vector<1792x8xf32> -> vector<2048x8xf32>
    %add3A_71 = arith.addf %add3A_66, %concatenate3A_70 : vector<2048x8xf32>
    %broadcast_in_dim3A_72 = arith.constant 0.000000e+00 : f32
    %broadcast_in_dim3A_73 = vector.broadcast %broadcast_in_dim3A_72 : f32 to vector<512x8xf32>
    %slice3A_74 = vector.extract_strided_slice %add3A_71 {offsets = [0, 0], sizes = [1536, 8], strides = [1, 1]} : vector<2048x8xf32> to vector<1536x8xf32>
    %concatenate3A_75 = tpu.concatenate %broadcast_in_dim3A_73, %slice3A_74 in 0 : vector<512x8xf32>, vector<1536x8xf32> -> vector<2048x8xf32>
    %add3A_76 = arith.addf %add3A_71, %concatenate3A_75 : vector<2048x8xf32>
    %broadcast_in_dim3A_77 = arith.constant 0.000000e+00 : f32
    %broadcast_in_dim3A_78 = vector.broadcast %broadcast_in_dim3A_77 : f32 to vector<1024x8xf32>
    %slice3A_79 = vector.extract_strided_slice %add3A_76 {offsets = [0, 0], sizes = [1024, 8], strides = [1, 1]} : vector<2048x8xf32> to vector<1024x8xf32>
    %concatenate3A_80 = tpu.concatenate %broadcast_in_dim3A_78, %slice3A_79 in 0 : vector<1024x8xf32>, vector<1024x8xf32> -> vector<2048x8xf32>
    %add3A_81 = arith.addf %add3A_76, %concatenate3A_80 : vector<2048x8xf32>
    %sub3A_82 = arith.constant 1.000000e+00 : f32
    %sub3A_83 = vector.broadcast %sub3A_82 : f32 to vector<2048x8xf32>
    %sub3A_84 = arith.subf %add3A_81, %sub3A_83 : vector<2048x8xf32>
    %mul3A = arith.mulf %sub3A_84, %convert_element_type3A_25 : vector<2048x8xf32>
    %reduce_sum3A_85 = arith.constant dense<0.000000e+00> : vector<2048xf32>
    %reduce_sum3A_86 = vector.multi_reduction <add>, %mul3A, %reduce_sum3A_85 [1] : vector<2048x8xf32> to vector<2048xf32>
    %broadcast_in_dim3A_87 = vector.shape_cast %reduce_sum3A_86 : vector<2048xf32> to vector<2048x1xf32>
    %div3A_88 = arith.constant 3.840000e+02 : f32
    %div3A_89 = vector.broadcast %div3A_88 : f32 to vector<1x8xf32>
    %div3A_90 = arith.divf %broadcast_in_dim3A_28, %div3A_89 : vector<1x8xf32>
    %ceil3A = math.ceil %div3A_90 : vector<1x8xf32>
    %mul3A_91 = arith.constant 3.840000e+02 : f32
    %mul3A_92 = vector.broadcast %mul3A_91 : f32 to vector<1x8xf32>
    %mul3A_93 = arith.mulf %ceil3A, %mul3A_92 : vector<1x8xf32>
    %broadcast_in_dim3A_94 = arith.constant 0.000000e+00 : f32
    %broadcast_in_dim3A_95 = vector.broadcast %broadcast_in_dim3A_94 : f32 to vector<1x1xf32>
    %slice3A_96 = vector.extract_strided_slice %mul3A_93 {offsets = [0, 0], sizes = [1, 7], strides = [1, 1]} : vector<1x8xf32> to vector<1x7xf32>
    %concatenate3A_97 = tpu.concatenate %broadcast_in_dim3A_95, %slice3A_96 in 1 : vector<1x1xf32>, vector<1x7xf32> -> vector<1x8xf32>
    %add3A_98 = arith.addf %mul3A_93, %concatenate3A_97 : vector<1x8xf32>
    %broadcast_in_dim3A_99 = arith.constant 0.000000e+00 : f32
    %broadcast_in_dim3A_100 = vector.broadcast %broadcast_in_dim3A_99 : f32 to vector<1x2xf32>
    %slice3A_101 = vector.extract_strided_slice %add3A_98 {offsets = [0, 0], sizes = [1, 6], strides = [1, 1]} : vector<1x8xf32> to vector<1x6xf32>
    %concatenate3A_102 = tpu.concatenate %broadcast_in_dim3A_100, %slice3A_101 in 1 : vector<1x2xf32>, vector<1x6xf32> -> vector<1x8xf32>
    %add3A_103 = arith.addf %add3A_98, %concatenate3A_102 : vector<1x8xf32>
    %broadcast_in_dim3A_104 = arith.constant 0.000000e+00 : f32
    %broadcast_in_dim3A_105 = vector.broadcast %broadcast_in_dim3A_104 : f32 to vector<1x4xf32>
    %slice3A_106 = vector.extract_strided_slice %add3A_103 {offsets = [0, 0], sizes = [1, 4], strides = [1, 1]} : vector<1x8xf32> to vector<1x4xf32>
    %concatenate3A_107 = tpu.concatenate %broadcast_in_dim3A_105, %slice3A_106 in 1 : vector<1x4xf32>, vector<1x4xf32> -> vector<1x8xf32>
    %add3A_108 = arith.addf %add3A_103, %concatenate3A_107 : vector<1x8xf32>
    %sub3A_109 = arith.subf %add3A_108, %mul3A_93 : vector<1x8xf32>
    %mul3A_110 = vector.broadcast %sub3A_109 : vector<1x8xf32> to vector<2048x8xf32>
    %mul3A_111 = arith.mulf %mul3A_110, %convert_element_type3A_25 : vector<2048x8xf32>
    %reduce_sum3A_112 = arith.constant dense<0.000000e+00> : vector<2048xf32>
    %reduce_sum3A_113 = vector.multi_reduction <add>, %mul3A_111, %reduce_sum3A_112 [1] : vector<2048x8xf32> to vector<2048xf32>
    %broadcast_in_dim3A_114 = vector.shape_cast %reduce_sum3A_113 : vector<2048xf32> to vector<2048x1xf32>
    %add3A_115 = arith.addf %broadcast_in_dim3A_114, %broadcast_in_dim3A_87 : vector<2048x1xf32>
    %convert_element_type3A_116 = arith.fptosi %add3A_115 : vector<2048x1xf32> to vector<2048x1xi32>
    %reshape3A = vector.shape_cast %convert_element_type3A_116 : vector<2048x1xi32> to vector<2048xi32>
    %swap3A = arith.constant 0 : index
    %swap3A_117 = vector.load %arg3[%swap3A] : memref<2048xi32, #tpu.memory_space<vmem>>, vector<2048xi32>
    tpu.vector_store %arg3[%swap3A], %reshape3A {strides = array<i32>} : memref<2048xi32, #tpu.memory_space<vmem>>, vector<2048xi32>,
    %mul3A_118 = arith.mulf %div3A_16, %convert_element_type3A_25 : vector<2048x8xf32>
    %reduce_sum3A_119 = arith.constant dense<0.000000e+00> : vector<8xf32>
    %reduce_sum3A_120 = vector.multi_reduction <add>, %mul3A_118, %reduce_sum3A_119 [0] : vector<2048x8xf32> to vector<8xf32>
    %broadcast_in_dim3A_121 = vector.shape_cast %reduce_sum3A_120 : vector<8xf32> to vector<1x8xf32>
    %gt3A = arith.constant 0.000000e+00 : f32
    %gt3A_122 = vector.broadcast %gt3A : f32 to vector<1x8xf32>
    %gt3A_123 = arith.cmpf ogt, %broadcast_in_dim3A_28, %gt3A_122 : vector<1x8xf32>
    %max3A = arith.constant 1.000000e+00 : f32
    %max3A_124 = vector.broadcast %max3A : f32 to vector<1x8xf32>
    %max3A_125 = arith.maximumf %broadcast_in_dim3A_28, %max3A_124 : vector<1x8xf32>
    %div3A_126 = arith.divf %broadcast_in_dim3A_121, %max3A_125 : vector<1x8xf32>
    %jit3A_127 = arith.constant 0.000000e+00 : f32
    %broadcast_in_dim3A_128 = vector.broadcast %jit3A_127 : f32 to vector<1x8xf32>
    %select_n3A_129 = arith.select %gt3A_123, %div3A_126, %broadcast_in_dim3A_128 : vector<1x8xi1>, vector<1x8xf32>
    %reshape3A_130 = vector.shape_cast %select_n3A_129 : vector<1x8xf32> to vector<8x1xf32>
    %broadcast_in_dim3A_131 = vector.shape_cast %reshape3A_130 : vector<8x1xf32> to vector<8x1xf32>
    %broadcast_in_dim3A_132 = vector.broadcast %broadcast_in_dim3A_131 : vector<8x1xf32> to vector<8x128xf32>
    %swap3A_133 = arith.constant 0 : index
    %swap3A_134 = arith.constant 0 : index
    %swap3A_135 = vector.load %arg6[%swap3A_133, %swap3A_134] : memref<8x128xf32, #tpu.memory_space<vmem>>, vector<8x128xf32>
    tpu.vector_store %arg6[%swap3A_133, %swap3A_134], %broadcast_in_dim3A_132 {strides = array<i32>} : memref<8x128xf32, #tpu.memory_space<vmem>>, vector<8x128xf32>,
    %iota3A_136 = tpu.iota {dimensions = array<i32: 0>} : vector<14x8xi32>
    %convert_element_type3A_137 = arith.sitofp %iota3A_136 : vector<14x8xi32> to vector<14x8xf32>
    %mul3A_138 = arith.constant 3.840000e+02 : f32
    %mul3A_139 = vector.broadcast %mul3A_138 : f32 to vector<14x8xf32>
    %mul3A_140 = arith.mulf %convert_element_type3A_137, %mul3A_139 : vector<14x8xf32>
    %broadcast_in_dim3A_141 = vector.shape_cast %add3A_108 : vector<1x8xf32> to vector<1x8xf32>
    %broadcast_in_dim3A_142 = vector.broadcast %broadcast_in_dim3A_141 : vector<1x8xf32> to vector<14x8xf32>
    %ge3A_143 = arith.cmpf oge, %mul3A_140, %broadcast_in_dim3A_142 : vector<14x8xf32>
    %convert_element_type3A_144 = arith.extui %ge3A_143 : vector<14x8xi1> to vector<14x8xi32>
    %reduce_sum3A_145 = arith.constant dense<0> : vector<14xi32>
    %reduce_sum3A_146 = vector.multi_reduction <add>, %convert_element_type3A_144, %reduce_sum3A_145 [1] : vector<14x8xi32> to vector<14xi32>
    %broadcast_in_dim3A_147 = vector.shape_cast %reduce_sum3A_146 : vector<14xi32> to vector<14x1xi32>
    %slice3A_148 = vector.extract_strided_slice %add3A_108 {offsets = [0, 7], sizes = [1, 1], strides = [1, 1]} : vector<1x8xf32> to vector<1x1xf32>
    %min3A = arith.constant 7 : i32
    %min3A_149 = vector.broadcast %min3A : i32 to vector<14x1xi32>
    %min3A_150 = arith.minsi %broadcast_in_dim3A_147, %min3A_149 : vector<14x1xi32>
    %swap3A_151 = arith.constant 0 : index
    %swap3A_152 = arith.constant 0 : index
    %swap3A_153 = vector.load %arg4[%swap3A_151, %swap3A_152] : memref<14x1xi32, #tpu.memory_space<vmem>>, vector<14x1xi32>
    tpu.vector_store %arg4[%swap3A_151, %swap3A_152], %min3A_150 {strides = array<i32>} : memref<14x1xi32, #tpu.memory_space<vmem>>, vector<14x1xi32>,
    %div3A_154 = arith.constant 3.840000e+02 : f32
    %div3A_155 = vector.broadcast %div3A_154 : f32 to vector<1x1xf32>
    %div3A_156 = arith.divf %slice3A_148, %div3A_155 : vector<1x1xf32>
    %convert_element_type3A_157 = arith.fptosi %div3A_156 : vector<1x1xf32> to vector<1x1xi32>
    %swap3A_158 = arith.constant 0 : index
    %swap3A_159 = arith.constant 0 : index
    %swap3A_160 = vector.load %arg5[%swap3A_158, %swap3A_159] : memref<1x1xi32, #tpu.memory_space<vmem>>, vector<1x1xi32>
    tpu.vector_store %arg5[%swap3A_158, %swap3A_159], %convert_element_type3A_157 {strides = array<i32>} : memref<1x1xi32, #tpu.memory_space<vmem>>, vector<1x1xi32>,
    %div3A_161 = arith.constant 2.048000e+03 : f32
    %div3A_162 = vector.broadcast %div3A_161 : f32 to vector<1x8xf32>
    %div3A_163 = arith.divf %broadcast_in_dim3A_28, %div3A_162 : vector<1x8xf32>
    %mul3A_164 = arith.mulf %div3A_163, %div3A_163 : vector<1x8xf32>
    %reduce_sum3A_165 = vector.shape_cast %mul3A_164 : vector<1x8xf32> to vector<1x1x8xf32>
    %reduce_sum3A_166 = arith.constant dense<0.000000e+00> : vector<1xf32>
    %reduce_sum3A_167 = vector.multi_reduction <add>, %reduce_sum3A_165, %reduce_sum3A_166 [1, 2] : vector<1x1x8xf32> to vector<1xf32>
    %reduce_sum3A_168 = vector.shape_cast %reduce_sum3A_167 : vector<1xf32> to vector<1x1x1xf32>
    %reduce_sum3A_169 = vector.extract %reduce_sum3A_168[0, 0, 0] : f32 from vector<1x1x1xf32>
    %broadcast_in_dim3A_170 = vector.broadcast %reduce_sum3A_169 : f32 to vector<1x1xf32>
    %mul3A_171 = arith.constant 8.000000e+00 : f32
    %mul3A_172 = vector.broadcast %mul3A_171 : f32 to vector<1x1xf32>
    %mul3A_173 = arith.mulf %broadcast_in_dim3A_170, %mul3A_172 : vector<1x1xf32>
    %swap3A_174 = arith.constant 0 : index
    %swap3A_175 = arith.constant 0 : index
    %swap3A_176 = vector.load %arg7[%swap3A_174, %swap3A_175] : memref<1x1xf32, #tpu.memory_space<vmem>>, vector<1x1xf32>
    tpu.vector_store %arg7[%swap3A_174, %swap3A_175], %mul3A_173 {strides = array<i32>} : memref<1x1xf32, #tpu.memory_space<vmem>>, vector<1x1xf32>,
    return
  }
}

</mosaic_0001>

<sc_bundles>
// kernel: kernel.6.cloned.1.call-start
scs
__scs_entry_jumppad:
0x0: {  	(pc) =	sbr.rel $0x88, $3  }
0x1: {  	(tag) =	ssettag $0x0;
	lr =	simm.s32 $0x1  }
0x2: {  	[smem:$0x3F9A] =	sst lr;
	_ =	strace $0xD0000000  }
0x3: {  	_ = 	snop  }
0x4: {  	_ = 	snop  }
0x5: {  	_ = 	snop  }
0x6: {  	_ = 	snop  }
0x7: {  	_ = 	snop  }
__scs_overlays_trampoline_lowered:
0x8: {  	[smem:$0x3FA9] =	sst s0  }
0x9: {  	[smem:$0x3FAA] =	sst s1  }
0xa: {  	[smem:$0x3FAB] =	sst s2  }
0xb: {  	[smem:$0x3FAC] =	sst s3  }
0xc: {  	[smem:$0x3FAD] =	sst s4  }
0xd: {  	[smem:$0x3FAE] =	sst s5  }
0xe: {  	[smem:$0x3FAF] =	sst s6  }
0xf: {  	[smem:$0x3FB0] =	sst s7  }
0x10: {  	[smem:$0x3FB1] =	sst s8  }
0x11: {  	[smem:$0x3FB2] =	sst s9;
	s0 =	simm.s32 @!p0 $0x0  }
0x12: {  	s1 =	sld [smem:$0x3F98];
	s0 =	simm.s32 @p0 $0x1  }
0x13: {  	[smem:$0x3FB3] =	sst s0;
	s0 =	simm.s32 @!p1 $0x0  }
0x14: {  	s2 =	sld [smem:$0x3F97];
	s0 =	simm.s32 @p1 $0x1  }
0x15: {  	[smem:$0x3FB4] =	sst s0;
	s0 =	simm.s32 @!p2 $0x0  }
0x16: {  	s3 =	sld [smem:$0x3FDB];
	s0 =	simm.s32 @p2 $0x1  }
0x17: {  	s4 =	simm.s32 $0x1BF5;
	[smem:$0x3FB6] =	sst s0  }
0x18: {  	s0 =	sld [smem:$0x3F99];
	_ =	swait.ge [sflag:s4], $0x0  }
0x19: {  	s7 =	sld [smem:$0x3F9A]  }
0x1a: {  	s8 =	sadd.s32 $0xFFFFE003, lr  }
0x1b: {  	s9 =	sadd.s32 $0xFFFFFEF7, lr;
	s5 =	simm.s32 $0xFFFFFFFF;
	p2 =	slt.u32 s8, $0xFFFFF086  }
0x1c: {  	p1 =	slt.u32 s9, $0xF7A;
	s5 =	simm.s32 @!p2 $0x0  }
0x1d: {  	s5 =	simm.s32 @p1 $0x1;
	p0 =	seq.s32 s7, s2  }
0x1e: {  	s7 =	smul.u32 @!p0 $0xF7A, s2;
	p2 =	seq.s32 @!p0 s5, $0x0  }
0x1f: {  	s9 =	smul.u32 $0xF7A, s1;
	s8 =	simm.s32 @!p0 $0x1BF5;
	p2 =	por !p2, p0  }
0x20: {  	[sflag:s8] =	ssyncset.s32 @!p0 $0xFFFFF086;
	s6 =	sadd.s32 @!p0 s3, s7;
	s7 =	simm.s32 @!p0 $0x108  }
0x21: {  	s3 =	sadd.s32 s3, s9;
	s6 =	sadd.s32 @!p0 $0x88, s6;
	s7 =	simm.s32 @p2 $0x1082  }
0x22: {  	[simem:s7], [sflag:s8] =	dma.local @!p0 [hbm:s6], $0xF7A  }
0x23: {  	s9 =	sor.u32 $0xD0000000, s2;
	s6 =	simm.s32 $0x108;
	_ =	swait.ge @!p0 [sflag:s8], $0x0  }
0x24: {  	s3 =	sadd.s32 $0x88, s3;
	s6 =	simm.s32 @!p1 $0x1082;
	[sflag:s4] =	ssyncset.s32 $0xFFFFF086  }
0x25: {  	[simem:s6], [sflag:s4] =	dma.local [hbm:s3], $0xF7A  }
0x26: {  	[smem:$0x3F9A] =	sst s1;
	(tag) =	ssettag s2;
	_ =	strace s9  }
0x27: {  	s1 =	sld [smem:$0x3FAA]  }
0x28: {  	s2 =	sld [smem:$0x3FAB]  }
0x29: {  	s4 =	sld [smem:$0x3FAD]  }
0x2a: {  	p0 =	seq.s32 s5, $0x0;
	s5 =	sld [smem:$0x3FAE]  }
0x2b: {  	s6 =	sld [smem:$0x3FAF]  }
0x2c: {  	s7 =	sld [smem:$0x3FB0]  }
0x2d: {  	s3 =	simm.s32 $0x108;
	s8 =	sld [smem:$0x3FB1]  }
0x2e: {  	s3 =	simm.s32 @!p0 $0x1082;
	s9 =	sld [smem:$0x3FB2]  }
0x2f: {  	lr =	sadd.s32 s0, s3;
	s0 =	sld [smem:$0x3FA9]  }
0x30: {  	s3 =	sld [smem:$0x3FAC]  }
0x31: {  	[smem:$0x3FB5] =	sst s10  }
0x32: {  	s10 =	sld [smem:$0x3FB3];
	_ =	sdelay $0x3  }
0x33: {  	p0 =	seq.s32 s10, $0x1;
	s10 =	sld [smem:$0x3FB5];
	_ =	sdelay $0x3  }
0x34: {  	[smem:$0x3FB5] =	sst s10  }
0x35: {  	s10 =	sld [smem:$0x3FB4];
	_ =	sdelay $0x3  }
0x36: {  	p1 =	seq.s32 s10, $0x1;
	s10 =	sld [smem:$0x3FB5];
	_ =	sdelay $0x3  }
0x37: {  	[smem:$0x3FB5] =	sst s10  }
0x38: {  	s10 =	sld [smem:$0x3FB6]  }
0x39: {  	_ = 	snop;
	(pc) =	sbr.ind lr, $3  }
0x3a: {  	_ = 	snop  }
0x3b: {  	_ = 	snop  }
0x3c: {  	p2 =	seq.s32 s10, $0x1;
	s10 =	sld [smem:$0x3FB5]  }
0x3d: {  	_ =	shalt  }
0x3e: {  	_ =	shalt  }
0x3f: {  	_ =	shalt  }
0x40: {  	_ =	shalt  }
0x41: {  	_ =	shalt  }
0x42: {  	_ =	shalt  }
0x43: {  	_ =	shalt  }
0x44: {  	_ =	shalt  }
0x45: {  	_ =	shalt  }
0x46: {  	_ =	shalt  }
0x47: {  	_ =	shalt  }
0x48: {  	_ =	shalt  }
0x49: {  	_ =	shalt  }
0x4a: {  	_ =	shalt  }
0x4b: {  	_ =	shalt  }
0x4c: {  	_ =	shalt  }
0x4d: {  	_ =	shalt  }
0x4e: {  	_ =	shalt  }
0x4f: {  	_ =	shalt  }
0x50: {  	_ =	shalt  }
0x51: {  	_ =	shalt  }
0x52: {  	_ =	shalt  }
0x53: {  	_ =	shalt  }
0x54: {  	_ =	shalt  }
0x55: {  	_ =	shalt  }
0x56: {  	_ =	shalt  }
0x57: {  	_ =	shalt  }
0x58: {  	_ =	shalt  }
0x59: {  	_ =	shalt  }
0x5a: {  	_ =	shalt  }
0x5b: {  	_ =	shalt  }
0x5c: {  	_ =	shalt  }
0x5d: {  	_ =	shalt  }
0x5e: {  	_ =	shalt  }
0x5f: {  	_ =	shalt  }
0x60: {  	_ =	shalt  }
0x61: {  	_ =	shalt  }
0x62: {  	_ =	shalt  }
0x63: {  	_ =	shalt  }
0x64: {  	_ =	shalt  }
0x65: {  	_ =	shalt  }
0x66: {  	_ =	shalt  }
0x67: {  	_ =	shalt  }
0x68: {  	_ =	shalt  }
0x69: {  	_ =	shalt  }
0x6a: {  	_ =	shalt  }
0x6b: {  	_ =	shalt  }
0x6c: {  	_ =	shalt  }
0x6d: {  	_ =	shalt  }
0x6e: {  	_ =	shalt  }
0x6f: {  	_ =	shalt  }
0x70: {  	_ =	shalt  }
0x71: {  	_ =	shalt  }
0x72: {  	_ =	shalt  }
0x73: {  	_ =	shalt  }
0x74: {  	_ =	shalt  }
0x75: {  	_ =	shalt  }
0x76: {  	_ =	shalt  }
0x77: {  	_ =	shalt  }
0x78: {  	_ =	shalt  }
0x79: {  	_ =	shalt  }
0x7a: {  	_ =	shalt  }
0x7b: {  	_ =	shalt  }
0x7c: {  	_ =	shalt  }
0x7d: {  	_ =	shalt  }
0x7e: {  	_ =	shalt  }
0x7f: {  	_ =	shalt  }
0x80: {  	_ =	shalt  }
0x81: {  	_ =	shalt  }
0x82: {  	_ =	shalt  }
0x83: {  	_ =	shalt  }
0x84: {  	_ =	shalt  }
0x85: {  	_ =	shalt  }
0x86: {  	_ =	shalt  }
0x87: {  	_ =	shalt  }
.Lfunc_end0:
.L_simem_size_0:
called_computation_lowered:
.L_overlay_start_0:
0x88: {  	s2 =	sld [smem:$0x3FD9]  }
0x89: {  	s3 =	sld [smem:$0x3FFE];
	_ =	sdelay $0x1  }
0x8a: {  	s1 =	srdreg.scid  }
0x8b: {  	s0 =	sand.u32 $0x1, s1  }
0x8c: {  	s17 =	sshll.u32 s0, $0xA;
	s2 =	sadd.s32 s3, s2  }
0x8d: {  	s2 =	sadd.s32 s2, s17  }
0x8e: {  	[smem:$0x3FC1] =	sst s2  }
0x8f: {  	_ = 	snop  }
0x90: {  	s2 =	sld [smem:$0x3FC9];
	(tm) =	ssettm $0x1  }
0x91: {  	s18 =	sld [smem:$0x3FFB];
	_ =	sdelay $0x3  }
0x92: {  	_ =	strace s18  }
0x93: {  	s3 =	sld [smem:$0x3FFC];
	_ =	sdelay $0x3  }
0x94: {  	_ =	strace s3  }
0x95: {  	s3 =	sld [smem:$0x3FFD];
	_ =	sdelay $0x3  }
0x96: {  	_ =	strace s3  }
0x97: {  	_ =	strace $0x8FFFFFFF  }
0x98: {  	s19 =	sld [smem:$0x3FDB];
	_ =	sdelay $0x1  }
0x99: {  	s4 =	simm.s32 $_scs_section_size  }
0x9a: {  	s5 =	simm.s32 $_size__tile_overlayer_lowered;
	s6 =	simm.s32 $_tile_overlayer_lowered  }
0x9b: {  	s22 =	simm.s32 $0x1BFF;
	s21 =	sshll.u32 s6, $0x1;
	s3 =	sadd.s32 s4, s19  }
0x9c: {  	s7 =	simm.s32 $0x0;
	s20 =	sshll.u32 s5, $0x1;
	s5 =	sadd.s32 s21, s3  }
0x9d: {  	[timem:s7], [sflag:s22] =	dma.local [hbm:s5], s20  }
0x9e: {  	_ =	swait.ge [sflag:s22], s20  }
0x9f: {  	s4 =	ssub.s32 $0x0, s20;
	[sflag:s22] =	ssyncset.done $0x0  }
0xa0: {  	[sflag:s22] =	ssyncadd.s32 s4;
	_ =	sdelay $0x1  }
0xa1: {  	s23 =	simm.s32 $0x1B8B  }
0xa2: {  	_ =	swait.ge [sflag:s23], $0x1  }
0xa3: {  	[sflag:s23] =	ssyncset.done $0x0  }
0xa4: {  	s25 =	simm.s32 $0x1B8E;
	s24 =	sld [smem:$0x3FFE];
	[sflag:s23] =	ssyncadd.s32 $0xFFFFFFFF  }
0xa5: {  	s26 =	simm.s32 $execute0_lowered;
	[smem:$0x3FD2] =	sst s25  }
0xa6: {  	s5 =	sshll.u32 s26, $0x1;
	_ =	strace $0x80000046;
	[dreg:$0x1] =	wrdreg $0xFFFFFFFF  }
0xa7: {  	s28 =	simm.s32 $_size_execute0_lowered;
	s3 =	sadd.s32 s3, s5;
	[dreg:$0x0] =	wrdreg $0x0  }
0xa8: {  	s5 =	sshll.u32 s28, $0x1;
	[dreg:$0x2] =	wrdreg s3  }
0xa9: {  	[dreg:$0x3] =	wrdreg s5  }
0xaa: {  	[dreg:$0x4] =	wrdreg $0xC0  }
0xab: {  	_ =	task [dreg:s7], $0x5FFFF  }
0xac: {  	[dreg:$0x1] =	wrdreg $0xFFFFFFFF  }
0xad: {  	[dreg:$0x0] =	wrdreg $0x60  }
0xae: {  	[dreg:$0x2] =	wrdreg s2  }
0xaf: {  	[dreg:$0x3] =	wrdreg s24  }
0xb0: {  	[dreg:$0x4] =	wrdreg $0x9  }
0xb1: {  	_ =	task.clear_ibuf [dreg:s7], $0x5FFFF;
	_ =	strace $0x90000046  }
0xb2: {  	s29 =	simm.s32 $0x9;
	_ =	strace $0x80000048  }
0xb3: {  	_ =	swait.ge [sflag:s29], $0x1  }
0xb4: {  	[sflag:s29] =	ssyncadd.s32 $0xFFFFFFFF  }
0xb5: {  	_ =	strace $0x90000048  }
0xb6: {  	_ =	sfence  }
0xb7: {  	s30 =	sld [smem:$0x0];
	_ =	sdelay $0x2  }
0xb8: {  	s31 =	sshll.u32 s1, $0xD;
	s1 =	sshrl.u32 s1, $0x2  }
0xb9: {  	s3 =	sand.u32 $0x4000, s31;
	s1 =	sadd.s32 s1, s30  }
0xba: {  	s0 =	sor.u32 s3, s0;
	s1 =	sshll.u32 s1, $0x11  }
0xbb: {  	s0 =	sor.u32 s1, s0  }
0xbc: {  	s0 =	sadd.s32 $0x8F2B, s0  }
0xbd: {  	[sflag:s0] =	ssyncadd.remote.s32 $0x1  }
0xbe: {  	_ =	sfence.sel $0xFFFF  }
0xbf: {  	[dreg:$0x0] =	wrdreg $0xFFFFFFFF;
	(pc) =	sbr.abs _section_cstart, $3  }
0xc0: {  	[dreg:$0x1] =	wrdreg $0xFFFFFFFF  }
0xc1: {  	_ =	task.clear_ibuf [dreg:s7], $0x2FFFF;
	_ =	strace $0x9FFFFFFF  }
0xc2: {  	(tm) =	ssettm $0x7FFFFFFF  }
0xc3: {  	_ =	shalt  }
tec
execute0_lowered:
.L_overlay_start_1:
0x0: {  	(tag) =	ssettag $0x1  }
0x1: {  	s1 =	srdreg.scid;
	s3 =	rddreg [dreg:$0x0]  }
0x2: {  	s0 =	stileid.u32;
	s5 =	rddreg [dreg:$0x1];
	s2 =	simm.s32 $0x0  }
0x3: {  	s8 =	simm.s32 $0x2;
	s26 =	simm.s32 $0x880;
	s9 =	simm.s32 $0x1  }
0x4: {  	s11 =	simm.s32 $0x1880;
	s12 =	simm.s32 $0x2080;
	s13 =	simm.s32 $0x2880  }
0x5: {  	s14 =	simm.s32 $0x3080;
	s15 =	simm.s32 $0x3880;
	s16 =	simm.s32 $0x4080  }
0x6: {  	s17 =	simm.s32 $0x4880;
	s18 =	simm.s32 $0x5080;
	s19 =	simm.s32 $0x5880  }
0x7: {  	s20 =	simm.s32 $0x6080;
	s21 =	simm.s32 $0x6880;
	s22 =	simm.s32 $0x7080  }
0x8: {  	s23 =	simm.s32 $0x7880;
	s24 =	simm.s32 $0x8080;
	s25 =	simm.s32 $0x8880  }
0x9: {  	s28 =	simm.s32 $0x9880;
	s29 =	simm.s32 $0xA080;
	s30 =	simm.s32 $0xA880  }
0xa: {  	s31 =	simm.s32 $0xB080;
	s1 =	sand.u32 $0x1, s1;
	[smem:$0x7FF] =	sst s2  }
0xb: {  	s4 =	sshll.u32 s0, $0x4;
	s6 =	sshll.u32 s1, $0x3;
	_ =	strace $0x80000047  }
0xc: {  	s1 =	ssub.s32 $0x2, s1;
	[dreg:$0x5] =	wrdreg s26;
	s4 =	sor.u32 s6, s4  }
0xd: {  	s7 =	sshrl.u32 s1, $0x1;
	s6 =	sadd.s32 s4, s5;
	s4 =	smul.u32 $0x300, s4  }
0xe: {  	s26 =	simm.s32 $0x9080;
	s1 =	ssub.s32 s1, s7;
	s6 =	sadd.s32 $0x1200, s6  }
0xf: {  	v2 =	vlaneseq.u32;
	s7 =	simm.s32 $0x80;
	[dreg:$0x3] =	wrdreg s6;
	s4 =	sadd.s32 s3, s4  }
0x10: {  	vm0 =	vmmov $0xffff;
	v1 =	vshrl.u32 v2, $0x3;
	s3 =	sadd.s32 $0x1400, s5;
	s6 =	smax.u32 s1, $0x1;
	s1 =	simm.s32 $0xB880  }
0x11: {  	v0 =	vand.u32 $0x7, v2;
	v2 =	vor.u32 $0x8, v2;
	v1 =	vmul.u32 $0x8, v1;
	[dreg:$0x4] =	wrdreg s4;
	s4 =	sadd.s32 $0x1500, s5;
	s5 =	sadd.s32 $0x1600, s5  }
.LBB2_1:
0x12: {  	s0 =	rddreg [dreg:$0x3]  }
0x13: {  	[tilespmem:s2], [sflag:$0x2] =	stream.linear.gather [hbm4b:s0+s2], $0x40, $0x38;
	[tilespmem:$0xC080] =	vst v63  }
0x14: {  	s10 =	rddreg [dreg:$0x4]  }
0x15: {  	[tilespmem:s7], [sflag:$0x1] =	stream.linear.gather [hbm4b:s10+s2], $0xC000, $0x38;
	[tilespmem:$0xC080] =	vst v63  }
0x16: {  	_ =	swait.ge [sflag:s8], $0x40  }
0x17: {  	[sflag:s8] =	ssyncset.done $0x0  }
0x18: {  	[sflag:s8] =	ssyncadd.s32 $0xFFFFFFC0  }
0x19: {  	_ =	swait.ge [sflag:s9], $0xC000  }
0x1a: {  	[sflag:s9] =	ssyncset.done $0x0  }
0x1b: {  	[sflag:s9] =	ssyncadd.s32 $0xFFFF4000  }
0x1c: {  	v3 =	vld [tilespmem:$0x0];
	_ =	sdelay $0x4  }
0x1d: {  	v4 =	vshrl.u32 v3, $0x3  }
0x1e: {  	v4 =	vmul.u32 $0x30, v4  }
0x1f: {  	v3 =	vand.u32 $0x7, v3  }
0x20: {  	v3 =	vor.u32 v3, v4  }
0x21: {  	v4 =	vperm.xlane v3, v0;
	_ =	sdelay $0x1  }
0x22: {  	v4 =	vadd.s32 v1, v4;
	_ =	sdelay $0x3  }
0x23: {  	v3 =	vperm.xlane v3, v2  }
0x24: {  	[hbm4b:s3+s2] =	stream.indirect_vreg.scatter [tilespmem:s7], [sflag:$0x1], $0x80, v4, vm0, $0xb8;
	[tilespmem:$0xC080] =	vst v63  }
0x25: {  	s10 =	rddreg [dreg:$0x5];
	v3 =	vadd.s32 v1, v3  }
0x26: {  	[hbm4b:s4+s2] =	stream.indirect_vreg.scatter [tilespmem:s10], [sflag:$0x1], $0x80, v4, vm0, $0xb8;
	[tilespmem:$0xC080] =	vst v63  }
0x27: {  	s10 =	simm.s32 $0x1080  }
0x28: {  	[hbm4b:s5+s2] =	stream.indirect_vreg.scatter [tilespmem:s10], [sflag:$0x1], $0x80, v4, vm0, $0xb8;
	[tilespmem:$0xC080] =	vst v63  }
0x29: {  	_ = 	snop  }
0x2a: {  	[hbm4b:s3+s2] =	stream.indirect_vreg.scatter [tilespmem:s11], [sflag:$0x1], $0x80, v3, vm0, $0xb8;
	[tilespmem:$0xC080] =	vst v63  }
0x2b: {  	_ = 	snop  }
0x2c: {  	[hbm4b:s4+s2] =	stream.indirect_vreg.scatter [tilespmem:s12], [sflag:$0x1], $0x80, v3, vm0, $0xb8;
	[tilespmem:$0xC080] =	vst v63  }
0x2d: {  	_ = 	snop  }
0x2e: {  	[hbm4b:s5+s2] =	stream.indirect_vreg.scatter [tilespmem:s13], [sflag:$0x1], $0x80, v3, vm0, $0xb8;
	[tilespmem:$0xC080] =	vst v63  }
0x2f: {  	v3 =	vld [tilespmem:$0x10];
	_ =	sdelay $0x4  }
0x30: {  	v61 =	vshrl.u32 v3, $0x3  }
0x31: {  	v4 =	vmul.u32 $0x30, v61  }
0x32: {  	v3 =	vand.u32 $0x7, v3  }
0x33: {  	v3 =	vor.u32 v3, v4  }
0x34: {  	v4 =	vperm.xlane v3, v0;
	_ =	sdelay $0x1  }
0x35: {  	v4 =	vadd.s32 v1, v4;
	_ =	sdelay $0x3  }
0x36: {  	v3 =	vperm.xlane v3, v2  }
0x37: {  	[hbm4b:s3+s2] =	stream.indirect_vreg.scatter [tilespmem:s14], [sflag:$0x1], $0x80, v4, vm0, $0xb8;
	[tilespmem:$0xC080] =	vst v63  }
0x38: {  	v3 =	vadd.s32 v1, v3  }
0x39: {  	[hbm4b:s4+s2] =	stream.indirect_vreg.scatter [tilespmem:s15], [sflag:$0x1], $0x80, v4, vm0, $0xb8;
	[tilespmem:$0xC080] =	vst v63  }
0x3a: {  	_ = 	snop  }
0x3b: {  	[hbm4b:s5+s2] =	stream.indirect_vreg.scatter [tilespmem:s16], [sflag:$0x1], $0x80, v4, vm0, $0xb8;
	[tilespmem:$0xC080] =	vst v63  }
0x3c: {  	_ = 	snop  }
0x3d: {  	[hbm4b:s3+s2] =	stream.indirect_vreg.scatter [tilespmem:s17], [sflag:$0x1], $0x80, v3, vm0, $0xb8;
	[tilespmem:$0xC080] =	vst v63  }
0x3e: {  	_ = 	snop  }
0x3f: {  	[hbm4b:s4+s2] =	stream.indirect_vreg.scatter [tilespmem:s18], [sflag:$0x1], $0x80, v3, vm0, $0xb8;
	[tilespmem:$0xC080] =	vst v63  }
0x40: {  	_ = 	snop  }
0x41: {  	[hbm4b:s5+s2] =	stream.indirect_vreg.scatter [tilespmem:s19], [sflag:$0x1], $0x80, v3, vm0, $0xb8;
	[tilespmem:$0xC080] =	vst v63  }
0x42: {  	v3 =	vld [tilespmem:$0x20];
	_ =	sdelay $0x4  }
0x43: {  	v62 =	vshrl.u32 v3, $0x3  }
0x44: {  	v4 =	vmul.u32 $0x30, v62  }
0x45: {  	v3 =	vand.u32 $0x7, v3  }
0x46: {  	v3 =	vor.u32 v3, v4  }
0x47: {  	v4 =	vperm.xlane v3, v0;
	_ =	sdelay $0x1  }
0x48: {  	v4 =	vadd.s32 v1, v4;
	_ =	sdelay $0x3  }
0x49: {  	v3 =	vperm.xlane v3, v2  }
0x4a: {  	[hbm4b:s3+s2] =	stream.indirect_vreg.scatter [tilespmem:s20], [sflag:$0x1], $0x80, v4, vm0, $0xb8;
	[tilespmem:$0xC080] =	vst v63  }
0x4b: {  	v3 =	vadd.s32 v1, v3  }
0x4c: {  	[hbm4b:s4+s2] =	stream.indirect_vreg.scatter [tilespmem:s21], [sflag:$0x1], $0x80, v4, vm0, $0xb8;
	[tilespmem:$0xC080] =	vst v63  }
0x4d: {  	_ = 	snop  }
0x4e: {  	[hbm4b:s5+s2] =	stream.indirect_vreg.scatter [tilespmem:s22], [sflag:$0x1], $0x80, v4, vm0, $0xb8;
	[tilespmem:$0xC080] =	vst v63  }
0x4f: {  	_ = 	snop  }
0x50: {  	[hbm4b:s3+s2] =	stream.indirect_vreg.scatter [tilespmem:s23], [sflag:$0x1], $0x80, v3, vm0, $0xb8;
	[tilespmem:$0xC080] =	vst v63  }
0x51: {  	_ = 	snop  }
0x52: {  	[hbm4b:s4+s2] =	stream.indirect_vreg.scatter [tilespmem:s24], [sflag:$0x1], $0x80, v3, vm0, $0xb8;
	[tilespmem:$0xC080] =	vst v63  }
0x53: {  	_ = 	snop  }
0x54: {  	[hbm4b:s5+s2] =	stream.indirect_vreg.scatter [tilespmem:s25], [sflag:$0x1], $0x80, v3, vm0, $0xb8;
	[tilespmem:$0xC080] =	vst v63  }
0x55: {  	v3 =	vld [tilespmem:$0x30];
	_ =	sdelay $0x4  }
0x56: {  	v63 =	vshrl.u32 v3, $0x3  }
0x57: {  	v4 =	vmul.u32 $0x30, v63  }
0x58: {  	v3 =	vand.u32 $0x7, v3  }
0x59: {  	v3 =	vor.u32 v3, v4  }
0x5a: {  	v4 =	vperm.xlane v3, v0;
	_ =	sdelay $0x1  }
0x5b: {  	v4 =	vadd.s32 v1, v4;
	_ =	sdelay $0x3  }
0x5c: {  	v3 =	vperm.xlane v3, v2  }
0x5d: {  	[hbm4b:s3+s2] =	stream.indirect_vreg.scatter [tilespmem:s26], [sflag:$0x1], $0x80, v4, vm0, $0xb8;
	[tilespmem:$0xC080] =	vst v63  }
0x5e: {  	v3 =	vadd.s32 v1, v3  }
0x5f: {  	[hbm4b:s4+s2] =	stream.indirect_vreg.scatter [tilespmem:s28], [sflag:$0x1], $0x80, v4, vm0, $0xb8;
	[tilespmem:$0xC080] =	vst v63  }
0x60: {  	_ = 	snop  }
0x61: {  	[hbm4b:s5+s2] =	stream.indirect_vreg.scatter [tilespmem:s29], [sflag:$0x1], $0x80, v4, vm0, $0xb8;
	[tilespmem:$0xC080] =	vst v63  }
0x62: {  	_ = 	snop  }
0x63: {  	[hbm4b:s3+s2] =	stream.indirect_vreg.scatter [tilespmem:s30], [sflag:$0x1], $0x80, v3, vm0, $0xb8;
	[tilespmem:$0xC080] =	vst v63  }
0x64: {  	p0 =	sne.s32 s6, $0x1  }
0x65: {  	[hbm4b:s4+s2] =	stream.indirect_vreg.scatter [tilespmem:s31], [sflag:$0x1], $0x80, v3, vm0, $0xb8;
	[tilespmem:$0xC080] =	vst v63  }
.Ltmp0:
0x66: {  	_ = 	snop;
	(pc) =	sbr.rel @p0 .LBB2_1-.Ltmp0, $4  }
0x67: {  	[hbm4b:s5+s2] =	stream.indirect_vreg.scatter [tilespmem:s1], [sflag:$0x1], $0x80, v3, vm0, $0xb8;
	[tilespmem:$0xC080] =	vst v63  }
0x68: {  	_ =	swait.ge [sflag:s9], $0xC000  }
0x69: {  	[sflag:s9] =	ssyncset.done $0x0  }
0x6a: {  	s6 =	sadd.s32 $0xFFFFFFFF, s6;
	[sflag:s9] =	ssyncadd.s32 $0xFFFF4000  }
0x6b: {  	_ =	sfence.sel $0x180000  }
0x6c: {  	[bflag:$0x0] =	sbarrier.arrive $0xFFFF  }
0x6d: {  	_ =	strace $0x90000047  }
0x6e: {  	s0 =	stileid.u32;
	[bflag:$0x2] =	sbarrier.arrive $0xFFFF  }
0x6f: {  	p0 =	sne.s32 s0, $0x0;
	s0 =	rddreg [dreg:$0x2]  }
0x70: {  	s0 =	sadd.s32 @!p0 $0x100000, s0  }
0x71: {  	[sflag:s0] =	ssyncadd.tile.s32 @!p0 $0x1;
	_ =	shalt  }
.Lfunc_end2:
_tile_overlayer_lowered:
.L_overlay_start_2:
0x72: {  	(tag) =	ssettag $0x2  }
0x73: {  	s0 =	rddreg [dreg:$0x0];
	s2 =	stileid.u32  }
0x74: {  	s1 =	rddreg [dreg:$0x1];
	p0 =	sne.s32 s2, $0x0  }
0x75: {  	s3 =	rddreg [dreg:$0x2];
	[bflag:$0x3] =	sbarrier.arrive $0xFFFF;
	s2 =	simm.s32 @!p0 $0x1C03  }
0x76: {  	[timem:s3], [sflag:s2] =	dma.local @!p0 [hbm:s0], s1  }
0x77: {  	s0 =	simm.s32 @!p0 $0x3  }
0x78: {  	_ =	swait.ge @!p0 [sflag:s0], s1  }
0x79: {  	s1 =	ssub.s32 @!p0 $0x0, s1;
	[sflag:s0] =	ssyncset.done @!p0 $0x0  }
0x7a: {  	[sflag:s0] =	ssyncadd.s32 @!p0 s1  }
0x7b: {  	[bflag:$0x3] =	sbarrier.arrive $0xFFFF  }
0x7c: {  	_ =	shalt  }

// kernel: kernel.9.cloned.1.call-start
scs
__scs_entry_jumppad:
0x0: {  	(pc) =	sbr.rel $0x88, $3  }
0x1: {  	(tag) =	ssettag $0x0;
	lr =	simm.s32 $0x1  }
0x2: {  	[smem:$0x3F9A] =	sst lr;
	_ =	strace $0xD0000000  }
0x3: {  	_ = 	snop  }
0x4: {  	_ = 	snop  }
0x5: {  	_ = 	snop  }
0x6: {  	_ = 	snop  }
0x7: {  	_ = 	snop  }
__scs_overlays_trampoline_lowered:
0x8: {  	[smem:$0x3FA9] =	sst s0  }
0x9: {  	[smem:$0x3FAA] =	sst s1  }
0xa: {  	[smem:$0x3FAB] =	sst s2  }
0xb: {  	[smem:$0x3FAC] =	sst s3  }
0xc: {  	[smem:$0x3FAD] =	sst s4  }
0xd: {  	[smem:$0x3FAE] =	sst s5  }
0xe: {  	[smem:$0x3FAF] =	sst s6  }
0xf: {  	[smem:$0x3FB0] =	sst s7  }
0x10: {  	[smem:$0x3FB1] =	sst s8  }
0x11: {  	[smem:$0x3FB2] =	sst s9;
	s0 =	simm.s32 @!p0 $0x0  }
0x12: {  	s1 =	sld [smem:$0x3F98];
	s0 =	simm.s32 @p0 $0x1  }
0x13: {  	[smem:$0x3FB3] =	sst s0;
	s0 =	simm.s32 @!p1 $0x0  }
0x14: {  	s2 =	sld [smem:$0x3F97];
	s0 =	simm.s32 @p1 $0x1  }
0x15: {  	[smem:$0x3FB4] =	sst s0;
	s0 =	simm.s32 @!p2 $0x0  }
0x16: {  	s3 =	sld [smem:$0x3FDB];
	s0 =	simm.s32 @p2 $0x1  }
0x17: {  	s4 =	simm.s32 $0x1BF5;
	[smem:$0x3FB6] =	sst s0  }
0x18: {  	s0 =	sld [smem:$0x3F99];
	_ =	swait.ge [sflag:s4], $0x0  }
0x19: {  	s7 =	sld [smem:$0x3F9A]  }
0x1a: {  	s8 =	sadd.s32 $0xFFFFE003, lr  }
0x1b: {  	s9 =	sadd.s32 $0xFFFFFEF7, lr;
	s5 =	simm.s32 $0xFFFFFFFF;
	p2 =	slt.u32 s8, $0xFFFFF086  }
0x1c: {  	p1 =	slt.u32 s9, $0xF7A;
	s5 =	simm.s32 @!p2 $0x0  }
0x1d: {  	s5 =	simm.s32 @p1 $0x1;
	p0 =	seq.s32 s7, s2  }
0x1e: {  	s7 =	smul.u32 @!p0 $0xF7A, s2;
	p2 =	seq.s32 @!p0 s5, $0x0  }
0x1f: {  	s9 =	smul.u32 $0xF7A, s1;
	s8 =	simm.s32 @!p0 $0x1BF5;
	p2 =	por !p2, p0  }
0x20: {  	[sflag:s8] =	ssyncset.s32 @!p0 $0xFFFFF086;
	s6 =	sadd.s32 @!p0 s3, s7;
	s7 =	simm.s32 @!p0 $0x108  }
0x21: {  	s3 =	sadd.s32 s3, s9;
	s6 =	sadd.s32 @!p0 $0x88, s6;
	s7 =	simm.s32 @p2 $0x1082  }
0x22: {  	[simem:s7], [sflag:s8] =	dma.local @!p0 [hbm:s6], $0xF7A  }
0x23: {  	s9 =	sor.u32 $0xD0000000, s2;
	s6 =	simm.s32 $0x108;
	_ =	swait.ge @!p0 [sflag:s8], $0x0  }
0x24: {  	s3 =	sadd.s32 $0x88, s3;
	s6 =	simm.s32 @!p1 $0x1082;
	[sflag:s4] =	ssyncset.s32 $0xFFFFF086  }
0x25: {  	[simem:s6], [sflag:s4] =	dma.local [hbm:s3], $0xF7A  }
0x26: {  	[smem:$0x3F9A] =	sst s1;
	(tag) =	ssettag s2;
	_ =	strace s9  }
0x27: {  	s1 =	sld [smem:$0x3FAA]  }
0x28: {  	s2 =	sld [smem:$0x3FAB]  }
0x29: {  	s4 =	sld [smem:$0x3FAD]  }
0x2a: {  	p0 =	seq.s32 s5, $0x0;
	s5 =	sld [smem:$0x3FAE]  }
0x2b: {  	s6 =	sld [smem:$0x3FAF]  }
0x2c: {  	s7 =	sld [smem:$0x3FB0]  }
0x2d: {  	s3 =	simm.s32 $0x108;
	s8 =	sld [smem:$0x3FB1]  }
0x2e: {  	s3 =	simm.s32 @!p0 $0x1082;
	s9 =	sld [smem:$0x3FB2]  }
0x2f: {  	lr =	sadd.s32 s0, s3;
	s0 =	sld [smem:$0x3FA9]  }
0x30: {  	s3 =	sld [smem:$0x3FAC]  }
0x31: {  	[smem:$0x3FB5] =	sst s10  }
0x32: {  	s10 =	sld [smem:$0x3FB3];
	_ =	sdelay $0x3  }
0x33: {  	p0 =	seq.s32 s10, $0x1;
	s10 =	sld [smem:$0x3FB5];
	_ =	sdelay $0x3  }
0x34: {  	[smem:$0x3FB5] =	sst s10  }
0x35: {  	s10 =	sld [smem:$0x3FB4];
	_ =	sdelay $0x3  }
0x36: {  	p1 =	seq.s32 s10, $0x1;
	s10 =	sld [smem:$0x3FB5];
	_ =	sdelay $0x3  }
0x37: {  	[smem:$0x3FB5] =	sst s10  }
0x38: {  	s10 =	sld [smem:$0x3FB6]  }
0x39: {  	_ = 	snop;
	(pc) =	sbr.ind lr, $3  }
0x3a: {  	_ = 	snop  }
0x3b: {  	_ = 	snop  }
0x3c: {  	p2 =	seq.s32 s10, $0x1;
	s10 =	sld [smem:$0x3FB5]  }
0x3d: {  	_ =	shalt  }
0x3e: {  	_ =	shalt  }
0x3f: {  	_ =	shalt  }
0x40: {  	_ =	shalt  }
0x41: {  	_ =	shalt  }
0x42: {  	_ =	shalt  }
0x43: {  	_ =	shalt  }
0x44: {  	_ =	shalt  }
0x45: {  	_ =	shalt  }
0x46: {  	_ =	shalt  }
0x47: {  	_ =	shalt  }
0x48: {  	_ =	shalt  }
0x49: {  	_ =	shalt  }
0x4a: {  	_ =	shalt  }
0x4b: {  	_ =	shalt  }
0x4c: {  	_ =	shalt  }
0x4d: {  	_ =	shalt  }
0x4e: {  	_ =	shalt  }
0x4f: {  	_ =	shalt  }
0x50: {  	_ =	shalt  }
0x51: {  	_ =	shalt  }
0x52: {  	_ =	shalt  }
0x53: {  	_ =	shalt  }
0x54: {  	_ =	shalt  }
0x55: {  	_ =	shalt  }
0x56: {  	_ =	shalt  }
0x57: {  	_ =	shalt  }
0x58: {  	_ =	shalt  }
0x59: {  	_ =	shalt  }
0x5a: {  	_ =	shalt  }
0x5b: {  	_ =	shalt  }
0x5c: {  	_ =	shalt  }
0x5d: {  	_ =	shalt  }
0x5e: {  	_ =	shalt  }
0x5f: {  	_ =	shalt  }
0x60: {  	_ =	shalt  }
0x61: {  	_ =	shalt  }
0x62: {  	_ =	shalt  }
0x63: {  	_ =	shalt  }
0x64: {  	_ =	shalt  }
0x65: {  	_ =	shalt  }
0x66: {  	_ =	shalt  }
0x67: {  	_ =	shalt  }
0x68: {  	_ =	shalt  }
0x69: {  	_ =	shalt  }
0x6a: {  	_ =	shalt  }
0x6b: {  	_ =	shalt  }
0x6c: {  	_ =	shalt  }
0x6d: {  	_ =	shalt  }
0x6e: {  	_ =	shalt  }
0x6f: {  	_ =	shalt  }
0x70: {  	_ =	shalt  }
0x71: {  	_ =	shalt  }
0x72: {  	_ =	shalt  }
0x73: {  	_ =	shalt  }
0x74: {  	_ =	shalt  }
0x75: {  	_ =	shalt  }
0x76: {  	_ =	shalt  }
0x77: {  	_ =	shalt  }
0x78: {  	_ =	shalt  }
0x79: {  	_ =	shalt  }
0x7a: {  	_ =	shalt  }
0x7b: {  	_ =	shalt  }
0x7c: {  	_ =	shalt  }
0x7d: {  	_ =	shalt  }
0x7e: {  	_ =	shalt  }
0x7f: {  	_ =	shalt  }
0x80: {  	_ =	shalt  }
0x81: {  	_ =	shalt  }
0x82: {  	_ =	shalt  }
0x83: {  	_ =	shalt  }
0x84: {  	_ =	shalt  }
0x85: {  	_ =	shalt  }
0x86: {  	_ =	shalt  }
0x87: {  	_ =	shalt  }
.Lfunc_end0:
.L_simem_size_0:
called_computation.1_lowered:
.L_overlay_start_0:
0x88: {  	s2 =	sld [smem:$0x3FD9]  }
0x89: {  	s3 =	sld [smem:$0x3FFE];
	_ =	sdelay $0x1  }
0x8a: {  	s1 =	srdreg.scid  }
0x8b: {  	s0 =	sand.u32 $0x1, s1  }
0x8c: {  	s14 =	sshll.u32 s0, $0xA;
	s2 =	sadd.s32 s3, s2  }
0x8d: {  	s2 =	sadd.s32 s2, s14  }
0x8e: {  	[smem:$0x3FC1] =	sst s2  }
0x8f: {  	_ = 	snop  }
0x90: {  	s2 =	sld [smem:$0x3FD0];
	_ =	sdelay $0x2  }
0x91: {  	s15 =	simm.s32 $0xA;
	s4 =	simm.s32 $0x10  }
0x92: {  	[smem:s4], [sflag:s15] =	dma.local [hbm:s2], $0x1  }
0x93: {  	_ =	swait.eq [sflag:s15], $0x1  }
0x94: {  	[sflag:s15] =	ssyncset.done $0x0  }
0x95: {  	[sflag:s15] =	ssyncadd.s32 $0xFFFFFFFF  }
0x96: {  	s16 =	sld [smem:$0x10];
	(tm) =	ssettm $0x1  }
0x97: {  	s17 =	sld [smem:$0x3FFB];
	_ =	sdelay $0x3  }
0x98: {  	_ =	strace s17  }
0x99: {  	s3 =	sld [smem:$0x3FFC];
	_ =	sdelay $0x3  }
0x9a: {  	_ =	strace s3  }
0x9b: {  	s3 =	sld [smem:$0x3FFD];
	_ =	sdelay $0x3  }
0x9c: {  	_ =	strace s3  }
0x9d: {  	_ =	strace $0x8FFFFFFF  }
0x9e: {  	s18 =	sld [smem:$0x3FDB];
	_ =	sdelay $0x1  }
0x9f: {  	s19 =	simm.s32 $_scs_section_size  }
0xa0: {  	s5 =	simm.s32 $_size__tile_overlayer_lowered;
	s6 =	simm.s32 $_tile_overlayer_lowered  }
0xa1: {  	s22 =	simm.s32 $0x1BFF;
	s21 =	sshll.u32 s6, $0x1;
	s3 =	sadd.s32 s19, s18  }
0xa2: {  	s7 =	simm.s32 $0x0;
	s20 =	sshll.u32 s5, $0x1;
	s5 =	sadd.s32 s21, s3  }
0xa3: {  	[timem:s7], [sflag:s22] =	dma.local [hbm:s5], s20  }
0xa4: {  	_ =	swait.ge [sflag:s22], s20  }
0xa5: {  	s4 =	ssub.s32 $0x0, s20;
	[sflag:s22] =	ssyncset.done $0x0  }
0xa6: {  	[sflag:s22] =	ssyncadd.s32 s4;
	_ =	sdelay $0x1  }
0xa7: {  	s23 =	simm.s32 $0x1B8B  }
0xa8: {  	_ =	swait.ge [sflag:s23], $0x1  }
0xa9: {  	[sflag:s23] =	ssyncset.done $0x0  }
0xaa: {  	s25 =	simm.s32 $0x1B8E;
	s24 =	sld [smem:$0x3FFE];
	[sflag:s23] =	ssyncadd.s32 $0xFFFFFFFF  }
0xab: {  	s26 =	simm.s32 $execute0_lowered;
	[smem:$0x3FD2] =	sst s25  }
0xac: {  	s5 =	sshll.u32 s26, $0x1;
	_ =	strace $0x80000049;
	[dreg:$0x1] =	wrdreg $0xFFFFFFFF  }
0xad: {  	s28 =	simm.s32 $_size_execute0_lowered;
	s3 =	sadd.s32 s3, s5;
	[dreg:$0x0] =	wrdreg $0x0  }
0xae: {  	s5 =	sshll.u32 s28, $0x1;
	[dreg:$0x2] =	wrdreg s3  }
0xaf: {  	[dreg:$0x3] =	wrdreg s5  }
0xb0: {  	[dreg:$0x4] =	wrdreg $0xC0  }
0xb1: {  	_ =	task [dreg:s7], $0x5FFFF  }
0xb2: {  	[dreg:$0x1] =	wrdreg $0xFFFFFFFF  }
0xb3: {  	[dreg:$0x0] =	wrdreg $0x60  }
0xb4: {  	[dreg:$0x2] =	wrdreg s24  }
0xb5: {  	[dreg:$0x3] =	wrdreg s16  }
0xb6: {  	[dreg:$0x4] =	wrdreg $0x9  }
0xb7: {  	_ =	task.clear_ibuf [dreg:s7], $0x5FFFF;
	_ =	strace $0x90000049  }
0xb8: {  	s29 =	simm.s32 $0x9;
	_ =	strace $0x8000004B  }
0xb9: {  	_ =	swait.ge [sflag:s29], $0x1  }
0xba: {  	[sflag:s29] =	ssyncadd.s32 $0xFFFFFFFF  }
0xbb: {  	_ =	strace $0x9000004B  }
0xbc: {  	_ =	sfence  }
0xbd: {  	s30 =	sld [smem:$0x0];
	_ =	sdelay $0x2  }
0xbe: {  	s31 =	sshll.u32 s1, $0xD;
	s1 =	sshrl.u32 s1, $0x2  }
0xbf: {  	s3 =	sand.u32 $0x4000, s31;
	s1 =	sadd.s32 s1, s30  }
0xc0: {  	s0 =	sor.u32 s3, s0;
	s1 =	sshll.u32 s1, $0x11  }
0xc1: {  	s0 =	sor.u32 s1, s0  }
0xc2: {  	s0 =	sadd.s32 $0x8F2B, s0  }
0xc3: {  	[sflag:s0] =	ssyncadd.remote.s32 $0x1  }
0xc4: {  	_ =	sfence.sel $0xFFFF  }
0xc5: {  	[dreg:$0x0] =	wrdreg $0xFFFFFFFF;
	(pc) =	sbr.abs _section_cstart, $3  }
0xc6: {  	[dreg:$0x1] =	wrdreg $0xFFFFFFFF  }
0xc7: {  	_ =	task.clear_ibuf [dreg:s7], $0x2FFFF;
	_ =	strace $0x9FFFFFFF  }
0xc8: {  	(tm) =	ssettm $0x7FFFFFFF  }
0xc9: {  	_ =	shalt  }
tec
execute0_lowered:
.L_overlay_start_1:
0x0: {  	(tag) =	ssettag $0x1  }
0x1: {  	s0 =	rddreg [dreg:$0x0]  }
0x2: {  	s4 =	rddreg [dreg:$0x1];
	s3 =	srdreg.scid;
	s2 =	simm.s32 $0x0  }
0x3: {  	s1 =	stileid.u32;
	s25 =	simm.s32 $0x880;
	s26 =	simm.s32 $0x1080  }
0x4: {  	s10 =	simm.s32 $0x2080;
	s11 =	simm.s32 $0x2880;
	s12 =	simm.s32 $0x3080  }
0x5: {  	s13 =	simm.s32 $0x3880;
	s14 =	simm.s32 $0x4080;
	s15 =	simm.s32 $0x4880  }
0x6: {  	s16 =	simm.s32 $0x5080;
	s17 =	simm.s32 $0x5880;
	s18 =	simm.s32 $0x6080  }
0x7: {  	s19 =	simm.s32 $0x6880;
	s20 =	simm.s32 $0x7080;
	s21 =	simm.s32 $0x7880  }
0x8: {  	s22 =	simm.s32 $0x8080;
	s23 =	simm.s32 $0x8880;
	s28 =	simm.s32 $0xA880  }
0x9: {  	s29 =	simm.s32 $0xB080;
	s30 =	simm.s32 $0xB880;
	s31 =	simm.s32 $0x1  }
0xa: {  	s3 =	sand.u32 $0x1, s3;
	[smem:$0x7FF] =	sst s2;
	s5 =	sshll.u32 s1, $0x4  }
0xb: {  	s6 =	sshll.u32 s3, $0x3;
	_ =	strace $0x8000004A;
	[dreg:$0x5] =	wrdreg s25  }
0xc: {  	s7 =	ssub.s32 $0x2, s3;
	s3 =	sadd.s32 $0x1400, s0;
	[dreg:$0x6] =	wrdreg s26  }
0xd: {  	s25 =	simm.s32 $0x9880;
	s26 =	simm.s32 $0xA080;
	s5 =	sor.u32 s6, s5  }
0xe: {  	s8 =	sshrl.u32 s7, $0x1;
	s6 =	sadd.s32 s5, s0;
	s5 =	smul.u32 $0x300, s5  }
0xf: {  	s7 =	ssub.s32 s7, s8;
	s8 =	simm.s32 $0x80;
	s6 =	sadd.s32 $0x1200, s6  }
0x10: {  	v2 =	vlaneseq.u32;
	[dreg:$0x3] =	wrdreg s6;
	s24 =	sadd.s32 s4, s5;
	s4 =	sadd.s32 $0x1500, s0  }
0x11: {  	vm0 =	vmmov $0xffff;
	v1 =	vshrl.u32 v2, $0x3;
	s5 =	sadd.s32 $0x1600, s0;
	s6 =	smax.u32 s7, $0x1;
	s7 =	simm.s32 $0x2  }
0x12: {  	v0 =	vand.u32 $0x7, v2;
	v2 =	vor.u32 $0x8, v2;
	v1 =	vmul.u32 $0x8, v1;
	s0 =	simm.s32 $0x3;
	[dreg:$0x4] =	wrdreg s24;
	s24 =	simm.s32 $0x9080  }
.LBB2_1:
0x13: {  	s1 =	rddreg [dreg:$0x3]  }
0x14: {  	[tilespmem:s2], [sflag:$0x2] =	stream.linear.gather [hbm4b:s1+s2], $0x40, $0x38;
	[tilespmem:$0xC080] =	vst v63  }
0x15: {  	_ =	swait.ge [sflag:s7], $0x40  }
0x16: {  	[sflag:s7] =	ssyncset.done $0x0  }
0x17: {  	[sflag:s7] =	ssyncadd.s32 $0xFFFFFFC0  }
0x18: {  	v3 =	vld [tilespmem:$0x0];
	_ =	sdelay $0x4  }
0x19: {  	v4 =	vshrl.u32 v3, $0x3  }
0x1a: {  	v4 =	vmul.u32 $0x30, v4  }
0x1b: {  	v3 =	vand.u32 $0x7, v3  }
0x1c: {  	v3 =	vor.u32 v3, v4  }
0x1d: {  	v4 =	vperm.xlane v3, v0;
	_ =	sdelay $0x1  }
0x1e: {  	v4 =	vadd.s32 v1, v4;
	_ =	sdelay $0x3  }
0x1f: {  	v3 =	vperm.xlane v3, v2  }
0x20: {  	[tilespmem:s8], [sflag:$0x1] =	stream.indirect_vreg.gather [hbm4b:s3+s2], $0x80, v4, vm0, $0xb8;
	[tilespmem:$0xC080] =	vst v63  }
0x21: {  	s1 =	rddreg [dreg:$0x5];
	v3 =	vadd.s32 v1, v3  }
0x22: {  	[tilespmem:s1], [sflag:$0x1] =	stream.indirect_vreg.gather [hbm4b:s4+s2], $0x80, v4, vm0, $0xb8;
	[tilespmem:$0xC080] =	vst v63  }
0x23: {  	s9 =	rddreg [dreg:$0x6]  }
0x24: {  	[tilespmem:s9], [sflag:$0x1] =	stream.indirect_vreg.gather [hbm4b:s5+s2], $0x80, v4, vm0, $0xb8;
	[tilespmem:$0xC080] =	vst v63  }
0x25: {  	s9 =	simm.s32 $0x1880  }
0x26: {  	[tilespmem:s9], [sflag:$0x1] =	stream.indirect_vreg.gather [hbm4b:s3+s2], $0x80, v3, vm0, $0xb8;
	[tilespmem:$0xC080] =	vst v63  }
0x27: {  	_ = 	snop  }
0x28: {  	[tilespmem:s10], [sflag:$0x1] =	stream.indirect_vreg.gather [hbm4b:s4+s2], $0x80, v3, vm0, $0xb8;
	[tilespmem:$0xC080] =	vst v63  }
0x29: {  	_ = 	snop  }
0x2a: {  	[tilespmem:s11], [sflag:$0x1] =	stream.indirect_vreg.gather [hbm4b:s5+s2], $0x80, v3, vm0, $0xb8;
	[tilespmem:$0xC080] =	vst v63  }
0x2b: {  	v3 =	vld [tilespmem:$0x10];
	_ =	sdelay $0x4  }
0x2c: {  	v61 =	vshrl.u32 v3, $0x3  }
0x2d: {  	v4 =	vmul.u32 $0x30, v61  }
0x2e: {  	v3 =	vand.u32 $0x7, v3  }
0x2f: {  	v3 =	vor.u32 v3, v4  }
0x30: {  	v4 =	vperm.xlane v3, v0;
	_ =	sdelay $0x1  }
0x31: {  	v4 =	vadd.s32 v1, v4;
	_ =	sdelay $0x3  }
0x32: {  	v3 =	vperm.xlane v3, v2  }
0x33: {  	[tilespmem:s12], [sflag:$0x1] =	stream.indirect_vreg.gather [hbm4b:s3+s2], $0x80, v4, vm0, $0xb8;
	[tilespmem:$0xC080] =	vst v63  }
0x34: {  	v3 =	vadd.s32 v1, v3  }
0x35: {  	[tilespmem:s13], [sflag:$0x1] =	stream.indirect_vreg.gather [hbm4b:s4+s2], $0x80, v4, vm0, $0xb8;
	[tilespmem:$0xC080] =	vst v63  }
0x36: {  	_ = 	snop  }
0x37: {  	[tilespmem:s14], [sflag:$0x1] =	stream.indirect_vreg.gather [hbm4b:s5+s2], $0x80, v4, vm0, $0xb8;
	[tilespmem:$0xC080] =	vst v63  }
0x38: {  	_ = 	snop  }
0x39: {  	[tilespmem:s15], [sflag:$0x1] =	stream.indirect_vreg.gather [hbm4b:s3+s2], $0x80, v3, vm0, $0xb8;
	[tilespmem:$0xC080] =	vst v63  }
0x3a: {  	_ = 	snop  }
0x3b: {  	[tilespmem:s16], [sflag:$0x1] =	stream.indirect_vreg.gather [hbm4b:s4+s2], $0x80, v3, vm0, $0xb8;
	[tilespmem:$0xC080] =	vst v63  }
0x3c: {  	_ = 	snop  }
0x3d: {  	[tilespmem:s17], [sflag:$0x1] =	stream.indirect_vreg.gather [hbm4b:s5+s2], $0x80, v3, vm0, $0xb8;
	[tilespmem:$0xC080] =	vst v63  }
0x3e: {  	v3 =	vld [tilespmem:$0x20];
	_ =	sdelay $0x4  }
0x3f: {  	v62 =	vshrl.u32 v3, $0x3  }
0x40: {  	v4 =	vmul.u32 $0x30, v62  }
0x41: {  	v3 =	vand.u32 $0x7, v3  }
0x42: {  	v3 =	vor.u32 v3, v4  }
0x43: {  	v4 =	vperm.xlane v3, v0;
	_ =	sdelay $0x1  }
0x44: {  	v4 =	vadd.s32 v1, v4;
	_ =	sdelay $0x3  }
0x45: {  	v3 =	vperm.xlane v3, v2  }
0x46: {  	[tilespmem:s18], [sflag:$0x1] =	stream.indirect_vreg.gather [hbm4b:s3+s2], $0x80, v4, vm0, $0xb8;
	[tilespmem:$0xC080] =	vst v63  }
0x47: {  	v3 =	vadd.s32 v1, v3  }
0x48: {  	[tilespmem:s19], [sflag:$0x1] =	stream.indirect_vreg.gather [hbm4b:s4+s2], $0x80, v4, vm0, $0xb8;
	[tilespmem:$0xC080] =	vst v63  }
0x49: {  	_ = 	snop  }
0x4a: {  	[tilespmem:s20], [sflag:$0x1] =	stream.indirect_vreg.gather [hbm4b:s5+s2], $0x80, v4, vm0, $0xb8;
	[tilespmem:$0xC080] =	vst v63  }
0x4b: {  	_ = 	snop  }
0x4c: {  	[tilespmem:s21], [sflag:$0x1] =	stream.indirect_vreg.gather [hbm4b:s3+s2], $0x80, v3, vm0, $0xb8;
	[tilespmem:$0xC080] =	vst v63  }
0x4d: {  	_ = 	snop  }
0x4e: {  	[tilespmem:s22], [sflag:$0x1] =	stream.indirect_vreg.gather [hbm4b:s4+s2], $0x80, v3, vm0, $0xb8;
	[tilespmem:$0xC080] =	vst v63  }
0x4f: {  	_ = 	snop  }
0x50: {  	[tilespmem:s23], [sflag:$0x1] =	stream.indirect_vreg.gather [hbm4b:s5+s2], $0x80, v3, vm0, $0xb8;
	[tilespmem:$0xC080] =	vst v63  }
0x51: {  	v3 =	vld [tilespmem:$0x30];
	_ =	sdelay $0x4  }
0x52: {  	v63 =	vshrl.u32 v3, $0x3  }
0x53: {  	v4 =	vmul.u32 $0x30, v63  }
0x54: {  	v3 =	vand.u32 $0x7, v3  }
0x55: {  	v3 =	vor.u32 v3, v4  }
0x56: {  	v4 =	vperm.xlane v3, v0;
	_ =	sdelay $0x1  }
0x57: {  	v4 =	vadd.s32 v1, v4;
	_ =	sdelay $0x3  }
0x58: {  	v3 =	vperm.xlane v3, v2  }
0x59: {  	[tilespmem:s24], [sflag:$0x1] =	stream.indirect_vreg.gather [hbm4b:s3+s2], $0x80, v4, vm0, $0xb8;
	[tilespmem:$0xC080] =	vst v63  }
0x5a: {  	v3 =	vadd.s32 v1, v3  }
0x5b: {  	[tilespmem:s25], [sflag:$0x1] =	stream.indirect_vreg.gather [hbm4b:s4+s2], $0x80, v4, vm0, $0xb8;
	[tilespmem:$0xC080] =	vst v63  }
0x5c: {  	_ = 	snop  }
0x5d: {  	[tilespmem:s26], [sflag:$0x1] =	stream.indirect_vreg.gather [hbm4b:s5+s2], $0x80, v4, vm0, $0xb8;
	[tilespmem:$0xC080] =	vst v63  }
0x5e: {  	_ = 	snop  }
0x5f: {  	[tilespmem:s28], [sflag:$0x1] =	stream.indirect_vreg.gather [hbm4b:s3+s2], $0x80, v3, vm0, $0xb8;
	[tilespmem:$0xC080] =	vst v63  }
0x60: {  	_ = 	snop  }
0x61: {  	[tilespmem:s29], [sflag:$0x1] =	stream.indirect_vreg.gather [hbm4b:s4+s2], $0x80, v3, vm0, $0xb8;
	[tilespmem:$0xC080] =	vst v63  }
0x62: {  	_ = 	snop  }
0x63: {  	[tilespmem:s30], [sflag:$0x1] =	stream.indirect_vreg.gather [hbm4b:s5+s2], $0x80, v3, vm0, $0xb8;
	[tilespmem:$0xC080] =	vst v63  }
0x64: {  	_ =	swait.ge [sflag:s31], $0xC000  }
0x65: {  	p0 =	sne.s32 s6, $0x1;
	[sflag:s31] =	ssyncset.done $0x0  }
.Ltmp0:
0x66: {  	s9 =	rddreg [dreg:$0x4];
	[sflag:s31] =	ssyncadd.s32 $0xFFFF4000;
	(pc) =	sbr.rel @p0 .LBB2_1-.Ltmp0, $4  }
0x67: {  	[hbm4b:s9+s2] =	stream.linear.scatter [tilespmem:s8], [sflag:$0x3], $0xC000, $0x38;
	[tilespmem:$0xC080] =	vst v63  }
0x68: {  	_ =	swait.ge [sflag:s0], $0xC000  }
0x69: {  	[sflag:s0] =	ssyncset.done $0x0  }
0x6a: {  	s6 =	sadd.s32 $0xFFFFFFFF, s6;
	[sflag:s0] =	ssyncadd.s32 $0xFFFF4000  }
0x6b: {  	_ =	sfence.sel $0x180000  }
0x6c: {  	[bflag:$0x0] =	sbarrier.arrive $0xFFFF  }
0x6d: {  	_ =	strace $0x9000004A  }
0x6e: {  	s0 =	stileid.u32;
	[bflag:$0x2] =	sbarrier.arrive $0xFFFF  }
0x6f: {  	p0 =	sne.s32 s0, $0x0;
	s0 =	rddreg [dreg:$0x2]  }
0x70: {  	s0 =	sadd.s32 @!p0 $0x100000, s0  }
0x71: {  	[sflag:s0] =	ssyncadd.tile.s32 @!p0 $0x1;
	_ =	shalt  }
.Lfunc_end2:
_tile_overlayer_lowered:
.L_overlay_start_2:
0x72: {  	(tag) =	ssettag $0x2  }
0x73: {  	s0 =	rddreg [dreg:$0x0];
	s2 =	stileid.u32  }
0x74: {  	s1 =	rddreg [dreg:$0x1];
	p0 =	sne.s32 s2, $0x0  }
0x75: {  	s3 =	rddreg [dreg:$0x2];
	[bflag:$0x3] =	sbarrier.arrive $0xFFFF;
	s2 =	simm.s32 @!p0 $0x1C03  }
0x76: {  	[timem:s3], [sflag:s2] =	dma.local @!p0 [hbm:s0], s1  }
0x77: {  	s0 =	simm.s32 @!p0 $0x3  }
0x78: {  	_ =	swait.ge @!p0 [sflag:s0], s1  }
0x79: {  	s1 =	ssub.s32 @!p0 $0x0, s1;
	[sflag:s0] =	ssyncset.done @!p0 $0x0  }
0x7a: {  	[sflag:s0] =	ssyncadd.s32 @!p0 s1  }
0x7b: {  	[bflag:$0x3] =	sbarrier.arrive $0xFFFF  }
0x7c: {  	_ =	shalt  }

</sc_bundles>
